<compile_context>
chip_gen: v7x
topology: tpu7x:2x2x1
jax: 0.10.2.dev20260603
libtpu: 0.0.44.dev20260713+nightly
codegen_flags: <defaults>
</compile_context>

<pallas_src>
import functools

import jax
import jax.numpy as jnp
from jax import lax
from jax.experimental import pallas as pl
from jax.experimental.pallas import tpu as pltpu
from jax.experimental.pallas import tpu_sc as plsc

H = 1024
E = 16
TOPK = 2
INTER = 512
T = 2048
P = T * TOPK
TILE = 256
PADDED = P + E * TILE
NTILES = PADDED // TILE

NW = 32
PAIRS_PER_W = P // NW
GCH = 64

_CH = 512


def _gate_body(x_ref, gw_ref, gb_ref, pos_ref, wts_ref, meta_ref):
    x = x_ref[...]
    gw = gw_ref[...]
    scores = lax.dot_general(x, gw, (((1,), (1,)), ((), ())),
                             preferred_element_type=jnp.float32)
    m = jnp.max(scores, axis=1, keepdims=True)
    ex = jnp.exp(scores - m)
    probs = ex / jnp.sum(ex, axis=1, keepdims=True)
    biased = probs + gb_ref[...]
    lane = lax.broadcasted_iota(jnp.int32, (T, E), 1)
    neg = jnp.float32(-1e30)
    m1 = jnp.max(biased, axis=1, keepdims=True)
    i1 = jnp.min(jnp.where(biased == m1, lane, E), axis=1, keepdims=True)
    rest = jnp.where(lane == i1, neg, biased)
    m2 = jnp.max(rest, axis=1, keepdims=True)
    i2 = jnp.min(jnp.where(rest == m2, lane, E), axis=1, keepdims=True)
    oh1 = (lane == i1).astype(jnp.float32)
    oh2 = (lane == i2).astype(jnp.float32)
    wts_ref[:, 0:1] = jnp.sum(probs * oh1, axis=1, keepdims=True)
    wts_ref[:, 1:2] = jnp.sum(probs * oh2, axis=1, keepdims=True)

    counts = (jnp.sum(oh1, axis=0, keepdims=True)
              + jnp.sum(oh2, axis=0, keepdims=True))
    pc = jnp.ceil(counts / TILE) * TILE
    r16 = lax.broadcasted_iota(jnp.int32, (E, E), 0)
    c16 = lax.broadcasted_iota(jnp.int32, (E, E), 1)
    strict_lt = (r16 < c16).astype(jnp.float32)
    off = lax.dot_general(pc, strict_lt, (((1,), (0,)), ((), ())),
                          preferred_element_type=jnp.float32)
    meta_ref[0:1, :] = counts
    meta_ref[1:2, :] = off
    meta_ref[2:8, :] = jnp.zeros((6, E), jnp.float32)

    rr = lax.broadcasted_iota(jnp.int32, (_CH, _CH), 0)
    cc = lax.broadcasted_iota(jnp.int32, (_CH, _CH), 1)
    tri = (cc < rr).astype(jnp.float32)
    carry = jnp.zeros((1, E), jnp.float32)
    for k, oh in ((0, oh1), (1, oh2)):
        for ci in range(T // _CH):
            blk = oh[ci * _CH:(ci + 1) * _CH, :]
            rank = lax.dot_general(tri, blk, (((1,), (0,)), ((), ())),
                                   preferred_element_type=jnp.float32) + carry
            posb = jnp.sum((rank + off) * blk, axis=1, keepdims=True)
            pos_ref[ci * _CH:(ci + 1) * _CH, k:k + 1] = posb.astype(jnp.int32)
            carry = carry + jnp.sum(blk, axis=0, keepdims=True)


def _gate(xf, gate_w, gate_b):
    return pl.pallas_call(
        _gate_body,
        out_shape=(
            jax.ShapeDtypeStruct((T, TOPK), jnp.int32),
            jax.ShapeDtypeStruct((T, TOPK), jnp.float32),
            jax.ShapeDtypeStruct((8, E), jnp.float32),
        ),
    )(xf, gate_w, gate_b.reshape(1, E))


def _dispatch_body(pos_hbm, x_hbm, xs_hbm, pos_a, pos_b, rows_v, sem):
    cid = lax.axis_index("c")
    sid = lax.axis_index("s")
    wid = sid * 2 + cid
    base = wid * PAIRS_PER_W
    tok0 = pl.multiple_of(jnp.bitwise_and(base, T - 1), PAIRS_PER_W)
    pltpu.sync_copy(pos_hbm.at[pl.ds(base, GCH)], pos_a)
    pltpu.sync_copy(pos_hbm.at[pl.ds(base + GCH, GCH)], pos_b)
    pltpu.sync_copy(x_hbm.at[pl.ds(tok0, GCH)], rows_v)
    pltpu.async_copy(rows_v, xs_hbm.at[pos_a], sem).wait()
    pltpu.sync_copy(x_hbm.at[pl.ds(tok0 + GCH, GCH)], rows_v)
    pltpu.async_copy(rows_v, xs_hbm.at[pos_b], sem).wait()


def _dispatch(pos_flat, xf):
    mesh = plsc.VectorSubcoreMesh(core_axis_name="c", subcore_axis_name="s")
    fn = functools.partial(
        pl.kernel,
        out_type=jax.ShapeDtypeStruct((PADDED, H), jnp.float32),
        mesh=mesh,
        scratch_types=[
            pltpu.VMEM((GCH,), jnp.int32),
            pltpu.VMEM((GCH,), jnp.int32),
            pltpu.VMEM((GCH, H), jnp.float32),
            pltpu.SemaphoreType.DMA,
        ],
        compiler_params=pltpu.CompilerParams(needs_layout_passes=False),
    )(_dispatch_body)
    return fn(pos_flat, xf)


def _ffn_body(te_ref, xs_ref, w1_ref, w3_ref, w2_ref, b1_ref, b3_ref, b2_ref,
              out_ref, w1s, w3s, w2s):
    i = pl.program_id(0)
    prev = te_ref[jnp.maximum(i - 1, 0)]

    @pl.when((i == 0) | (te_ref[i] != prev))
    def _cast_weights():
        w1s[...] = w1_ref[0].astype(jnp.bfloat16)
        w3s[...] = w3_ref[0].astype(jnp.bfloat16)
        w2s[...] = w2_ref[0].astype(jnp.bfloat16)

    x = xs_ref[...].astype(jnp.bfloat16)
    h = lax.dot_general(x, w1s[...], (((1,), (1,)), ((), ())),
                        preferred_element_type=jnp.float32) + b1_ref[0]
    g = lax.dot_general(x, w3s[...], (((1,), (1,)), ((), ())),
                        preferred_element_type=jnp.float32) + b3_ref[0]
    a = h * g
    act = (a * jax.nn.sigmoid(a)).astype(jnp.bfloat16)
    out_ref[...] = lax.dot_general(act, w2s[...], (((1,), (1,)), ((), ())),
                                   preferred_element_type=jnp.float32) + b2_ref[0]


def _grouped_ffn(tile_expert, xs, w1, b1, w3, b3, w2, b2):
    grid_spec = pltpu.PrefetchScalarGridSpec(
        num_scalar_prefetch=1,
        grid=(NTILES,),
        in_specs=[
            pl.BlockSpec((TILE, H), lambda i, te: (i, 0)),
            pl.BlockSpec((1, INTER, H), lambda i, te: (te[i], 0, 0)),
            pl.BlockSpec((1, INTER, H), lambda i, te: (te[i], 0, 0)),
            pl.BlockSpec((1, H, INTER), lambda i, te: (te[i], 0, 0)),
            pl.BlockSpec((1, 1, INTER), lambda i, te: (te[i], 0, 0)),
            pl.BlockSpec((1, 1, INTER), lambda i, te: (te[i], 0, 0)),
            pl.BlockSpec((1, 1, H), lambda i, te: (te[i], 0, 0)),
        ],
        out_specs=pl.BlockSpec((TILE, H), lambda i, te: (i, 0)),
        scratch_shapes=[
            pltpu.VMEM((INTER, H), jnp.bfloat16),
            pltpu.VMEM((INTER, H), jnp.bfloat16),
            pltpu.VMEM((H, INTER), jnp.bfloat16),
        ],
    )
    return pl.pallas_call(
        _ffn_body,
        grid_spec=grid_spec,
        out_shape=jax.ShapeDtypeStruct((PADDED, H), jnp.float32),
    )(tile_expert, xs, w1, w3, w2, b1.reshape(E, 1, INTER),
      b3.reshape(E, 1, INTER), b2.reshape(E, 1, H))


def _gather_body(outs_hbm, pos_hbm, g_hbm, pos_v, rows_v, sem):
    cid = lax.axis_index("c")
    sid = lax.axis_index("s")
    wid = sid * 2 + cid
    base = wid * PAIRS_PER_W
    pltpu.sync_copy(pos_hbm.at[pl.ds(base, PAIRS_PER_W)], pos_v)
    for g in range(PAIRS_PER_W // GCH):
        o = g * GCH
        pltpu.async_copy(outs_hbm.at[pos_v.at[pl.ds(o, GCH)]], rows_v,
                         sem).wait()
        pltpu.sync_copy(rows_v, g_hbm.at[pl.ds(base + o, GCH)])


def _gather_pairs(out_sorted, pos_flat):
    mesh = plsc.VectorSubcoreMesh(core_axis_name="c", subcore_axis_name="s")
    fn = functools.partial(
        pl.kernel,
        out_type=jax.ShapeDtypeStruct((P, H), jnp.float32),
        mesh=mesh,
        scratch_types=[
            pltpu.VMEM((PAIRS_PER_W,), jnp.int32),
            pltpu.VMEM((GCH, H), jnp.float32),
            pltpu.SemaphoreType.DMA,
        ],
        compiler_params=pltpu.CompilerParams(needs_layout_passes=False),
    )(_gather_body)
    return fn(out_sorted, pos_flat)


def _sharedffn_body(x_ref, w1_ref, w3_ref, w2_ref, b1_ref, b3_ref, b2_ref,
                    z_ref):
    x = x_ref[...]
    h = lax.dot_general(x, w1_ref[...], (((1,), (1,)), ((), ())),
                        preferred_element_type=jnp.float32) + b1_ref[...]
    g = lax.dot_general(x, w3_ref[...], (((1,), (1,)), ((), ())),
                        preferred_element_type=jnp.float32) + b3_ref[...]
    a = h * g
    act = a * jax.nn.sigmoid(a)
    z_ref[...] = lax.dot_general(act, w2_ref[...], (((1,), (1,)), ((), ())),
                                 preferred_element_type=jnp.float32) + b2_ref[...]


def _shared_ffn(xf, sw1, sb1, sw3, sb3, sw2, sb2):
    blk = 512
    return pl.pallas_call(
        _sharedffn_body,
        grid=(T // blk,),
        in_specs=[
            pl.BlockSpec((blk, H), lambda i: (i, 0)),
            pl.BlockSpec((INTER, H), lambda i: (0, 0)),
            pl.BlockSpec((INTER, H), lambda i: (0, 0)),
            pl.BlockSpec((H, INTER), lambda i: (0, 0)),
            pl.BlockSpec((1, INTER), lambda i: (0, 0)),
            pl.BlockSpec((1, INTER), lambda i: (0, 0)),
            pl.BlockSpec((1, H), lambda i: (0, 0)),
        ],
        out_specs=pl.BlockSpec((blk, H), lambda i: (i, 0)),
        out_shape=jax.ShapeDtypeStruct((T, H), jnp.float32),
    )(xf, sw1, sw3, sw2, sb1.reshape(1, INTER), sb3.reshape(1, INTER),
      sb2.reshape(1, H))


def _combine_body(z_ref, g0_ref, g1_ref, wt_ref, y_ref):
    w = wt_ref[...]
    y_ref[...] = z_ref[...] + w[:, 0:1] * g0_ref[...] + w[:, 1:2] * g1_ref[...]


def _combine(z, gpairs, wts_mat):
    blk = 512
    return pl.pallas_call(
        _combine_body,
        grid=(T // blk,),
        in_specs=[
            pl.BlockSpec((blk, H), lambda i: (i, 0)),
            pl.BlockSpec((blk, H), lambda i: (i, 0)),
            pl.BlockSpec((blk, H), lambda i: (i + T // blk, 0)),
            pl.BlockSpec((blk, TOPK), lambda i: (i, 0)),
        ],
        out_specs=pl.BlockSpec((blk, H), lambda i: (i, 0)),
        out_shape=jax.ShapeDtypeStruct((T, H), jnp.float32),
    )(z, gpairs, gpairs, wts_mat)


def kernel(x, gate_w, gate_b, w1, b1, w3, b3, w2, b2,
           sw1, sb1, sw3, sb3, sw2, sb2):
    xf = x.reshape(T, H)
    pos_mat, wts_mat, meta = _gate(xf, gate_w, gate_b)
    pos_flat = jnp.concatenate([pos_mat[:, 0], pos_mat[:, 1]])
    counts = meta[0]
    off = meta[1]
    ends = (off + jnp.ceil(counts / TILE) * TILE).astype(jnp.int32)
    tile_starts = jnp.arange(NTILES, dtype=jnp.int32) * TILE
    tile_expert = jnp.minimum(
        jnp.sum((ends[None, :] <= tile_starts[:, None]).astype(jnp.int32),
                axis=1), E - 1).astype(jnp.int32)

    xs = _dispatch(pos_flat, xf)
    out_sorted = _grouped_ffn(tile_expert, xs, w1, b1, w3, b3, w2, b2)
    gpairs = _gather_pairs(out_sorted, pos_flat)
    z = _shared_ffn(xf, sw1, sb1, sw3, sb3, sw2, sb2)
    y = _combine(z, gpairs, wts_mat)
    return y.reshape(x.shape)

# --- scband reference (transcript-rebuilt; emitter-appended) ---
"""Pipeline reference for scband-shared-sparse-mo-e-81277961110151 (READ-ONLY COPY).

The authoritative reference and input builder live on the scoring server;
editing this copy changes nothing except your own understanding.
"""

import jax, jax.numpy as jnp
import numpy as np

B, S, H = 1, 2048, 1024
E, TOPK, INTER = 16, 2, 512
ROUTER_SCALE = 1.0


def setup_inputs(seed: int = 0) -> dict:
    key = jax.random.key(seed)
    ks = jax.random.split(key, 16)
    x = jax.random.normal(ks[0], (B, S, H), dtype=jnp.float32)
    gate_w = jax.random.normal(ks[1], (E, H), dtype=jnp.float32) * 0.02
    gate_b = jax.random.normal(ks[2], (E,), dtype=jnp.float32) * 0.02
    # per-expert weights stacked: nn.Linear weight is [out, in]
    w1 = jax.random.normal(ks[3], (E, INTER, H), dtype=jnp.float32) * 0.02
    b1 = jax.random.normal(ks[4], (E, INTER), dtype=jnp.float32) * 0.02
    w3 = jax.random.normal(ks[5], (E, INTER, H), dtype=jnp.float32) * 0.02
    b3 = jax.random.normal(ks[6], (E, INTER), dtype=jnp.float32) * 0.02
    w2 = jax.random.normal(ks[7], (E, H, INTER), dtype=jnp.float32) * 0.02
    b2 = jax.random.normal(ks[8], (E, H), dtype=jnp.float32) * 0.02
    # shared expert
    sw1 = jax.random.normal(ks[9], (INTER, H), dtype=jnp.float32) * 0.02
    sb1 = jax.random.normal(ks[10], (INTER,), dtype=jnp.float32) * 0.02
    sw3 = jax.random.normal(ks[11], (INTER, H), dtype=jnp.float32) * 0.02
    sb3 = jax.random.normal(ks[12], (INTER,), dtype=jnp.float32) * 0.02
    sw2 = jax.random.normal(ks[13], (H, INTER), dtype=jnp.float32) * 0.02
    sb2 = jax.random.normal(ks[14], (H,), dtype=jnp.float32) * 0.02
    return {"x": x, "gate_w": gate_w, "gate_b": gate_b,
            "w1": w1, "b1": b1, "w3": w3, "b3": b3, "w2": w2, "b2": b2,
            "sw1": sw1, "sb1": sb1, "sw3": sw3, "sb3": sb3, "sw2": sw2, "sb2": sb2}


def reference(x, gate_w, gate_b, w1, b1, w3, b3, w2, b2, sw1, sb1, sw3, sb3, sw2, sb2):
    shape = x.shape
    xf = x.reshape(-1, H)  # [T, H]
    T = xf.shape[0]
    # --- Gate ---
    scores = xf @ gate_w.T                      # [T, E]
    scores = jax.nn.softmax(scores, axis=-1)
    original_scores = scores
    scores = scores + gate_b
    _, selected_experts = jax.lax.top_k(scores, TOPK)          # [T, TOPK] int
    weights = jnp.take_along_axis(original_scores, selected_experts, axis=-1)
    weights = weights * ROUTER_SCALE            # [T, TOPK]
    # --- Routed experts: dense combine (mathematically equal to index_add loop) ---
    combine = jnp.zeros((T, E), dtype=xf.dtype)
    combine = combine.at[jnp.arange(T)[:, None], selected_experts].add(weights)  # [T, E]
    h = jnp.einsum('th,eih->tei', xf, w1) + b1[None, :, :]      # [T, E, INTER]
    g = jnp.einsum('th,eih->tei', xf, w3) + b3[None, :, :]
    act = jax.nn.silu(h * g)                                    # silu(w1(x) * w3(x))
    out = jnp.einsum('tei,ehi->teh', act, w2) + b2[None, :, :]  # [T, E, H]
    y = jnp.einsum('te,teh->th', combine, out)                  # [T, H]
    # --- Shared expert ---
    zh = xf @ sw1.T + sb1
    zg = xf @ sw3.T + sb3
    z = jax.nn.silu(zh * zg) @ sw2.T + sb2
    return (y + z).reshape(shape)

if __name__ == "__main__":
    import jax
    _d = setup_inputs()
    print(jax.jit(kernel)(*tuple(_d.values())))

</pallas_src>

<mosaic_0001>
#map = affine_map<(d0, d1) -> (0, 0)>
#map1 = affine_map<(d0, d1) -> (0)>
module attributes {stable_mosaic.version = 14 : i64} {
  func.func @_gather_body(%arg0: i32, %arg1: i32, %arg2: memref<8192x1024xf32, #tpu.memory_space<hbm>>, %arg3: memref<4096xi32, #tpu.memory_space<hbm>>, %arg4: memref<4096x1024xf32, #tpu.memory_space<hbm>>, %arg5: memref<128xi32, #tpu.memory_space<vmem>>, %arg6: memref<64x1024xf32, #tpu.memory_space<vmem>>, %arg7: memref<!tpu.dma_semaphore, #tpu.memory_space<semaphore_mem>>) attributes {dimension_semantics = [#tpu.dimension_semantics<core_parallel>, #tpu.dimension_semantics<subcore_parallel>], iteration_bounds = array<i64: 2, 16>, scalar_prefetch = 0 : i64, scratch_operands = 3 : i64, tpu.core_type = #tpu.core_type<sc_vector_subcore>, window_params = [{transform_indices = #map}, {transform_indices = #map1}, {transform_indices = #map}]} {
    %mul3A = arith.constant 2 : i32
    %mul3A_0 = arith.muli %arg1, %mul3A : i32
    %add3A = arith.addi %mul3A_0, %arg0 : i32
    %mul3A_1 = arith.constant 128 : i32
    %mul3A_2 = arith.muli %add3A, %mul3A_1 : i32
    "tpu.region"() ({
      %run_scoped3A = tpu.sem_alloc : memref<!tpu.dma_semaphore, #tpu.memory_space<semaphore_mem>>
      %dma_start3A_25 = tpu.memref_slice %arg3[%mul3A_2] : memref<4096xi32, #tpu.memory_space<hbm>> -> memref<128xi32, #tpu.memory_space<hbm>>
      %dma_start3A_26 = tpu.memref_slice %arg3[%mul3A_2] : memref<4096xi32, #tpu.memory_space<hbm>> -> memref<128xi32, #tpu.memory_space<hbm>>
      tpu.enqueue_dma source(%dma_start3A_26 : memref<128xi32, #tpu.memory_space<hbm>>) target(%arg5 : memref<128xi32, #tpu.memory_space<vmem>>) target_semaphore(%run_scoped3A : memref<!tpu.dma_semaphore, #tpu.memory_space<semaphore_mem>>)
      %dma_wait3A_27 = tpu.memref_slice %arg3[%mul3A_2] : memref<4096xi32, #tpu.memory_space<hbm>> -> memref<128xi32, #tpu.memory_space<hbm>>
      %dma_wait3A_28 = tpu.memref_slice %arg3[%mul3A_2] : memref<4096xi32, #tpu.memory_space<hbm>> -> memref<128xi32, #tpu.memory_space<hbm>>
      tpu.wait_dma2 semaphore(%run_scoped3A : memref<!tpu.dma_semaphore, #tpu.memory_space<semaphore_mem>>) src(%dma_wait3A_28 : memref<128xi32, #tpu.memory_space<hbm>>) dst(%arg5 : memref<128xi32, #tpu.memory_space<vmem>>)
      tpu.yield
    }) : () -> ()
    %dma_start3A = arith.constant 0 : i32
    %dma_start3A_3 = tpu.memref_slice %arg5[%dma_start3A] : memref<128xi32, #tpu.memory_space<vmem>> -> memref<64xi32, #tpu.memory_space<vmem>>
    %dma_start3A_4 = arith.constant 0 : i32
    %dma_start3A_5 = arith.constant 0 : i32
    %dma_start3A_6 = tpu.memref_slice %arg2[%dma_start3A_4, %dma_start3A_5] : memref<8192x1024xf32, #tpu.memory_space<hbm>> -> memref<8192x1024xf32, #tpu.memory_space<hbm>>
    tpu.enqueue_indirect_dma source(%dma_start3A_6 : memref<8192x1024xf32, #tpu.memory_space<hbm>>) target(%arg6 : memref<64x1024xf32, #tpu.memory_space<vmem>>) offsets(%dma_start3A_3 : memref<64xi32, #tpu.memory_space<vmem>>) semaphore(%arg7 : memref<!tpu.dma_semaphore, #tpu.memory_space<semaphore_mem>>)
    %dma_wait3A = arith.constant 0 : i32
    %dma_wait3A_7 = tpu.memref_slice %arg5[%dma_wait3A] : memref<128xi32, #tpu.memory_space<vmem>> -> memref<64xi32, #tpu.memory_space<vmem>>
    %dma_wait3A_8 = arith.constant 0 : i32
    %dma_wait3A_9 = arith.constant 0 : i32
    %dma_wait3A_10 = tpu.memref_slice %arg2[%dma_wait3A_8, %dma_wait3A_9] : memref<8192x1024xf32, #tpu.memory_space<hbm>> -> memref<8192x1024xf32, #tpu.memory_space<hbm>>
    tpu.wait_indirect_dma semaphore(%arg7 : memref<!tpu.dma_semaphore, #tpu.memory_space<semaphore_mem>>) src(%dma_wait3A_10 : memref<8192x1024xf32, #tpu.memory_space<hbm>>) dst(%arg6 : memref<64x1024xf32, #tpu.memory_space<vmem>>)
    %add3A_11 = arith.constant 0 : i32
    %add3A_12 = arith.addi %mul3A_2, %add3A_11 : i32
    "tpu.region"() ({
      %run_scoped3A = tpu.sem_alloc : memref<!tpu.dma_semaphore, #tpu.memory_space<semaphore_mem>>
      %dma_start3A_25 = arith.constant 0 : i32
      %dma_start3A_26 = tpu.memref_slice %arg4[%add3A_12, %dma_start3A_25] : memref<4096x1024xf32, #tpu.memory_space<hbm>> -> memref<64x1024xf32, #tpu.memory_space<hbm>>
      %dma_start3A_27 = arith.constant 0 : i32
      %dma_start3A_28 = tpu.memref_slice %arg4[%add3A_12, %dma_start3A_27] : memref<4096x1024xf32, #tpu.memory_space<hbm>> -> memref<64x1024xf32, #tpu.memory_space<hbm>>
      tpu.enqueue_dma source(%arg6 : memref<64x1024xf32, #tpu.memory_space<vmem>>) target(%dma_start3A_28 : memref<64x1024xf32, #tpu.memory_space<hbm>>) target_semaphore(%run_scoped3A : memref<!tpu.dma_semaphore, #tpu.memory_space<semaphore_mem>>)
      %dma_wait3A_29 = arith.constant 0 : i32
      %dma_wait3A_30 = tpu.memref_slice %arg4[%add3A_12, %dma_wait3A_29] : memref<4096x1024xf32, #tpu.memory_space<hbm>> -> memref<64x1024xf32, #tpu.memory_space<hbm>>
      %dma_wait3A_31 = arith.constant 0 : i32
      %dma_wait3A_32 = tpu.memref_slice %arg4[%add3A_12, %dma_wait3A_31] : memref<4096x1024xf32, #tpu.memory_space<hbm>> -> memref<64x1024xf32, #tpu.memory_space<hbm>>
      tpu.wait_dma2 semaphore(%run_scoped3A : memref<!tpu.dma_semaphore, #tpu.memory_space<semaphore_mem>>) src(%arg6 : memref<64x1024xf32, #tpu.memory_space<vmem>>) dst(%dma_wait3A_32 : memref<64x1024xf32, #tpu.memory_space<hbm>>)
      tpu.yield
    }) : () -> ()
    %dma_start3A_13 = arith.constant 64 : i32
    %dma_start3A_14 = tpu.memref_slice %arg5[%dma_start3A_13] : memref<128xi32, #tpu.memory_space<vmem>> -> memref<64xi32, #tpu.memory_space<vmem>>
    %dma_start3A_15 = arith.constant 0 : i32
    %dma_start3A_16 = arith.constant 0 : i32
    %dma_start3A_17 = tpu.memref_slice %arg2[%dma_start3A_15, %dma_start3A_16] : memref<8192x1024xf32, #tpu.memory_space<hbm>> -> memref<8192x1024xf32, #tpu.memory_space<hbm>>
    tpu.enqueue_indirect_dma source(%dma_start3A_17 : memref<8192x1024xf32, #tpu.memory_space<hbm>>) target(%arg6 : memref<64x1024xf32, #tpu.memory_space<vmem>>) offsets(%dma_start3A_14 : memref<64xi32, #tpu.memory_space<vmem>>) semaphore(%arg7 : memref<!tpu.dma_semaphore, #tpu.memory_space<semaphore_mem>>)
    %dma_wait3A_18 = arith.constant 64 : i32
    %dma_wait3A_19 = tpu.memref_slice %arg5[%dma_wait3A_18] : memref<128xi32, #tpu.memory_space<vmem>> -> memref<64xi32, #tpu.memory_space<vmem>>
    %dma_wait3A_20 = arith.constant 0 : i32
    %dma_wait3A_21 = arith.constant 0 : i32
    %dma_wait3A_22 = tpu.memref_slice %arg2[%dma_wait3A_20, %dma_wait3A_21] : memref<8192x1024xf32, #tpu.memory_space<hbm>> -> memref<8192x1024xf32, #tpu.memory_space<hbm>>
    tpu.wait_indirect_dma semaphore(%arg7 : memref<!tpu.dma_semaphore, #tpu.memory_space<semaphore_mem>>) src(%dma_wait3A_22 : memref<8192x1024xf32, #tpu.memory_space<hbm>>) dst(%arg6 : memref<64x1024xf32, #tpu.memory_space<vmem>>)
    %add3A_23 = arith.constant 64 : i32
    %add3A_24 = arith.addi %mul3A_2, %add3A_23 : i32
    "tpu.region"() ({
      %run_scoped3A = tpu.sem_alloc : memref<!tpu.dma_semaphore, #tpu.memory_space<semaphore_mem>>
      %dma_start3A_25 = arith.constant 0 : i32
      %dma_start3A_26 = tpu.memref_slice %arg4[%add3A_24, %dma_start3A_25] : memref<4096x1024xf32, #tpu.memory_space<hbm>> -> memref<64x1024xf32, #tpu.memory_space<hbm>>
      %dma_start3A_27 = arith.constant 0 : i32
      %dma_start3A_28 = tpu.memref_slice %arg4[%add3A_24, %dma_start3A_27] : memref<4096x1024xf32, #tpu.memory_space<hbm>> -> memref<64x1024xf32, #tpu.memory_space<hbm>>
      tpu.enqueue_dma source(%arg6 : memref<64x1024xf32, #tpu.memory_space<vmem>>) target(%dma_start3A_28 : memref<64x1024xf32, #tpu.memory_space<hbm>>) target_semaphore(%run_scoped3A : memref<!tpu.dma_semaphore, #tpu.memory_space<semaphore_mem>>)
      %dma_wait3A_29 = arith.constant 0 : i32
      %dma_wait3A_30 = tpu.memref_slice %arg4[%add3A_24, %dma_wait3A_29] : memref<4096x1024xf32, #tpu.memory_space<hbm>> -> memref<64x1024xf32, #tpu.memory_space<hbm>>
      %dma_wait3A_31 = arith.constant 0 : i32
      %dma_wait3A_32 = tpu.memref_slice %arg4[%add3A_24, %dma_wait3A_31] : memref<4096x1024xf32, #tpu.memory_space<hbm>> -> memref<64x1024xf32, #tpu.memory_space<hbm>>
      tpu.wait_dma2 semaphore(%run_scoped3A : memref<!tpu.dma_semaphore, #tpu.memory_space<semaphore_mem>>) src(%arg6 : memref<64x1024xf32, #tpu.memory_space<vmem>>) dst(%dma_wait3A_32 : memref<64x1024xf32, #tpu.memory_space<hbm>>)
      tpu.yield
    }) : () -> ()
    return
  }
}

#map = affine_map<(d0, d1) -> (0)>
#map1 = affine_map<(d0, d1) -> (0, 0)>
module attributes {stable_mosaic.version = 14 : i64} {
  func.func @_dispatch_body(%arg0: i32, %arg1: i32, %arg2: memref<4096xi32, #tpu.memory_space<hbm>>, %arg3: memref<2048x1024xf32, #tpu.memory_space<hbm>>, %arg4: memref<8192x1024xf32, #tpu.memory_space<hbm>>, %arg5: memref<64xi32, #tpu.memory_space<vmem>>, %arg6: memref<64xi32, #tpu.memory_space<vmem>>, %arg7: memref<64x1024xf32, #tpu.memory_space<vmem>>, %arg8: memref<!tpu.dma_semaphore, #tpu.memory_space<semaphore_mem>>) attributes {dimension_semantics = [#tpu.dimension_semantics<core_parallel>, #tpu.dimension_semantics<subcore_parallel>], iteration_bounds = array<i64: 2, 16>, scalar_prefetch = 0 : i64, scratch_operands = 4 : i64, tpu.core_type = #tpu.core_type<sc_vector_subcore>, window_params = [{transform_indices = #map}, {transform_indices = #map1}, {transform_indices = #map1}]} {
    %mul3A = arith.constant 2 : i32
    %mul3A_0 = arith.muli %arg1, %mul3A : i32
    %add3A = arith.addi %mul3A_0, %arg0 : i32
    %mul3A_1 = arith.constant 128 : i32
    %mul3A_2 = arith.muli %add3A, %mul3A_1 : i32
    %and3A = arith.constant 2047 : i32
    %and3A_3 = arith.andi %mul3A_2, %and3A : i32
    %multiple_of3A = tpu.assume_multiple %and3A_3, 128 : i32
    "tpu.region"() ({
      %run_scoped3A = tpu.sem_alloc : memref<!tpu.dma_semaphore, #tpu.memory_space<semaphore_mem>>
      %dma_start3A_18 = tpu.memref_slice %arg2[%mul3A_2] : memref<4096xi32, #tpu.memory_space<hbm>> -> memref<64xi32, #tpu.memory_space<hbm>>
      %dma_start3A_19 = tpu.memref_slice %arg2[%mul3A_2] : memref<4096xi32, #tpu.memory_space<hbm>> -> memref<64xi32, #tpu.memory_space<hbm>>
      tpu.enqueue_dma source(%dma_start3A_19 : memref<64xi32, #tpu.memory_space<hbm>>) target(%arg5 : memref<64xi32, #tpu.memory_space<vmem>>) target_semaphore(%run_scoped3A : memref<!tpu.dma_semaphore, #tpu.memory_space<semaphore_mem>>)
      %dma_wait3A_20 = tpu.memref_slice %arg2[%mul3A_2] : memref<4096xi32, #tpu.memory_space<hbm>> -> memref<64xi32, #tpu.memory_space<hbm>>
      %dma_wait3A_21 = tpu.memref_slice %arg2[%mul3A_2] : memref<4096xi32, #tpu.memory_space<hbm>> -> memref<64xi32, #tpu.memory_space<hbm>>
      tpu.wait_dma2 semaphore(%run_scoped3A : memref<!tpu.dma_semaphore, #tpu.memory_space<semaphore_mem>>) src(%dma_wait3A_21 : memref<64xi32, #tpu.memory_space<hbm>>) dst(%arg5 : memref<64xi32, #tpu.memory_space<vmem>>)
      tpu.yield
    }) : () -> ()
    %add3A_4 = arith.constant 64 : i32
    %add3A_5 = arith.addi %mul3A_2, %add3A_4 : i32
    "tpu.region"() ({
      %run_scoped3A = tpu.sem_alloc : memref<!tpu.dma_semaphore, #tpu.memory_space<semaphore_mem>>
      %dma_start3A_18 = tpu.memref_slice %arg2[%add3A_5] : memref<4096xi32, #tpu.memory_space<hbm>> -> memref<64xi32, #tpu.memory_space<hbm>>
      %dma_start3A_19 = tpu.memref_slice %arg2[%add3A_5] : memref<4096xi32, #tpu.memory_space<hbm>> -> memref<64xi32, #tpu.memory_space<hbm>>
      tpu.enqueue_dma source(%dma_start3A_19 : memref<64xi32, #tpu.memory_space<hbm>>) target(%arg6 : memref<64xi32, #tpu.memory_space<vmem>>) target_semaphore(%run_scoped3A : memref<!tpu.dma_semaphore, #tpu.memory_space<semaphore_mem>>)
      %dma_wait3A_20 = tpu.memref_slice %arg2[%add3A_5] : memref<4096xi32, #tpu.memory_space<hbm>> -> memref<64xi32, #tpu.memory_space<hbm>>
      %dma_wait3A_21 = tpu.memref_slice %arg2[%add3A_5] : memref<4096xi32, #tpu.memory_space<hbm>> -> memref<64xi32, #tpu.memory_space<hbm>>
      tpu.wait_dma2 semaphore(%run_scoped3A : memref<!tpu.dma_semaphore, #tpu.memory_space<semaphore_mem>>) src(%dma_wait3A_21 : memref<64xi32, #tpu.memory_space<hbm>>) dst(%arg6 : memref<64xi32, #tpu.memory_space<vmem>>)
      tpu.yield
    }) : () -> ()
    "tpu.region"() ({
      %run_scoped3A = tpu.sem_alloc : memref<!tpu.dma_semaphore, #tpu.memory_space<semaphore_mem>>
      %dma_start3A_18 = arith.constant 0 : i32
      %dma_start3A_19 = tpu.memref_slice %arg3[%multiple_of3A, %dma_start3A_18] : memref<2048x1024xf32, #tpu.memory_space<hbm>> -> memref<64x1024xf32, #tpu.memory_space<hbm>>
      %dma_start3A_20 = arith.constant 0 : i32
      %dma_start3A_21 = tpu.memref_slice %arg3[%multiple_of3A, %dma_start3A_20] : memref<2048x1024xf32, #tpu.memory_space<hbm>> -> memref<64x1024xf32, #tpu.memory_space<hbm>>
      tpu.enqueue_dma source(%dma_start3A_21 : memref<64x1024xf32, #tpu.memory_space<hbm>>) target(%arg7 : memref<64x1024xf32, #tpu.memory_space<vmem>>) target_semaphore(%run_scoped3A : memref<!tpu.dma_semaphore, #tpu.memory_space<semaphore_mem>>)
      %dma_wait3A_22 = arith.constant 0 : i32
      %dma_wait3A_23 = tpu.memref_slice %arg3[%multiple_of3A, %dma_wait3A_22] : memref<2048x1024xf32, #tpu.memory_space<hbm>> -> memref<64x1024xf32, #tpu.memory_space<hbm>>
      %dma_wait3A_24 = arith.constant 0 : i32
      %dma_wait3A_25 = tpu.memref_slice %arg3[%multiple_of3A, %dma_wait3A_24] : memref<2048x1024xf32, #tpu.memory_space<hbm>> -> memref<64x1024xf32, #tpu.memory_space<hbm>>
      tpu.wait_dma2 semaphore(%run_scoped3A : memref<!tpu.dma_semaphore, #tpu.memory_space<semaphore_mem>>) src(%dma_wait3A_25 : memref<64x1024xf32, #tpu.memory_space<hbm>>) dst(%arg7 : memref<64x1024xf32, #tpu.memory_space<vmem>>)
      tpu.yield
    }) : () -> ()
    %dma_start3A = arith.constant 0 : i32
    %dma_start3A_6 = arith.constant 0 : i32
    %dma_start3A_7 = tpu.memref_slice %arg4[%dma_start3A, %dma_start3A_6] : memref<8192x1024xf32, #tpu.memory_space<hbm>> -> memref<8192x1024xf32, #tpu.memory_space<hbm>>
    tpu.enqueue_indirect_dma source(%arg7 : memref<64x1024xf32, #tpu.memory_space<vmem>>) target(%dma_start3A_7 : memref<8192x1024xf32, #tpu.memory_space<hbm>>) offsets(%arg5 : memref<64xi32, #tpu.memory_space<vmem>>) semaphore(%arg8 : memref<!tpu.dma_semaphore, #tpu.memory_space<semaphore_mem>>)
    %dma_wait3A = arith.constant 0 : i32
    %dma_wait3A_8 = arith.constant 0 : i32
    %dma_wait3A_9 = tpu.memref_slice %arg4[%dma_wait3A, %dma_wait3A_8] : memref<8192x1024xf32, #tpu.memory_space<hbm>> -> memref<8192x1024xf32, #tpu.memory_space<hbm>>
    tpu.wait_indirect_dma semaphore(%arg8 : memref<!tpu.dma_semaphore, #tpu.memory_space<semaphore_mem>>) src(%arg7 : memref<64x1024xf32, #tpu.memory_space<vmem>>) dst(%dma_wait3A_9 : memref<8192x1024xf32, #tpu.memory_space<hbm>>)
    %add3A_10 = arith.constant 64 : i32
    %add3A_11 = arith.addi %multiple_of3A, %add3A_10 : i32
    "tpu.region"() ({
      %run_scoped3A = tpu.sem_alloc : memref<!tpu.dma_semaphore, #tpu.memory_space<semaphore_mem>>
      %dma_start3A_18 = arith.constant 0 : i32
      %dma_start3A_19 = tpu.memref_slice %arg3[%add3A_11, %dma_start3A_18] : memref<2048x1024xf32, #tpu.memory_space<hbm>> -> memref<64x1024xf32, #tpu.memory_space<hbm>>
      %dma_start3A_20 = arith.constant 0 : i32
      %dma_start3A_21 = tpu.memref_slice %arg3[%add3A_11, %dma_start3A_20] : memref<2048x1024xf32, #tpu.memory_space<hbm>> -> memref<64x1024xf32, #tpu.memory_space<hbm>>
      tpu.enqueue_dma source(%dma_start3A_21 : memref<64x1024xf32, #tpu.memory_space<hbm>>) target(%arg7 : memref<64x1024xf32, #tpu.memory_space<vmem>>) target_semaphore(%run_scoped3A : memref<!tpu.dma_semaphore, #tpu.memory_space<semaphore_mem>>)
      %dma_wait3A_22 = arith.constant 0 : i32
      %dma_wait3A_23 = tpu.memref_slice %arg3[%add3A_11, %dma_wait3A_22] : memref<2048x1024xf32, #tpu.memory_space<hbm>> -> memref<64x1024xf32, #tpu.memory_space<hbm>>
      %dma_wait3A_24 = arith.constant 0 : i32
      %dma_wait3A_25 = tpu.memref_slice %arg3[%add3A_11, %dma_wait3A_24] : memref<2048x1024xf32, #tpu.memory_space<hbm>> -> memref<64x1024xf32, #tpu.memory_space<hbm>>
      tpu.wait_dma2 semaphore(%run_scoped3A : memref<!tpu.dma_semaphore, #tpu.memory_space<semaphore_mem>>) src(%dma_wait3A_25 : memref<64x1024xf32, #tpu.memory_space<hbm>>) dst(%arg7 : memref<64x1024xf32, #tpu.memory_space<vmem>>)
      tpu.yield
    }) : () -> ()
    %dma_start3A_12 = arith.constant 0 : i32
    %dma_start3A_13 = arith.constant 0 : i32
    %dma_start3A_14 = tpu.memref_slice %arg4[%dma_start3A_12, %dma_start3A_13] : memref<8192x1024xf32, #tpu.memory_space<hbm>> -> memref<8192x1024xf32, #tpu.memory_space<hbm>>
    tpu.enqueue_indirect_dma source(%arg7 : memref<64x1024xf32, #tpu.memory_space<vmem>>) target(%dma_start3A_14 : memref<8192x1024xf32, #tpu.memory_space<hbm>>) offsets(%arg6 : memref<64xi32, #tpu.memory_space<vmem>>) semaphore(%arg8 : memref<!tpu.dma_semaphore, #tpu.memory_space<semaphore_mem>>)
    %dma_wait3A_15 = arith.constant 0 : i32
    %dma_wait3A_16 = arith.constant 0 : i32
    %dma_wait3A_17 = tpu.memref_slice %arg4[%dma_wait3A_15, %dma_wait3A_16] : memref<8192x1024xf32, #tpu.memory_space<hbm>> -> memref<8192x1024xf32, #tpu.memory_space<hbm>>
    tpu.wait_indirect_dma semaphore(%arg8 : memref<!tpu.dma_semaphore, #tpu.memory_space<semaphore_mem>>) src(%arg7 : memref<64x1024xf32, #tpu.memory_space<vmem>>) dst(%dma_wait3A_17 : memref<8192x1024xf32, #tpu.memory_space<hbm>>)
    return
  }
}

module attributes {stable_mosaic.version = 14 : i64} {
  func.func @_gate_body(%arg0: memref<2048x1024xf32, #tpu.memory_space<vmem>>, %arg1: memref<16x1024xf32, #tpu.memory_space<vmem>>, %arg2: memref<1x16xf32, #tpu.memory_space<vmem>>, %arg3: memref<2048x2xi32, #tpu.memory_space<vmem>>, %arg4: memref<2048x2xf32, #tpu.memory_space<vmem>>, %arg5: memref<8x16xf32, #tpu.memory_space<vmem>>) attributes {dimension_semantics = [], scalar_prefetch = 0 : i64, scratch_operands = 0 : i64, tpu.core_type = #tpu.core_type<tc>} {
    %get3A = arith.constant 0 : index
    %get3A_0 = arith.constant 0 : index
    %get3A_1 = vector.load %arg0[%get3A, %get3A_0] : memref<2048x1024xf32, #tpu.memory_space<vmem>>, vector<2048x1024xf32>
    %get3A_2 = arith.constant 0 : index
    %get3A_3 = arith.constant 0 : index
    %get3A_4 = vector.load %arg1[%get3A_2, %get3A_3] : memref<16x1024xf32, #tpu.memory_space<vmem>>, vector<16x1024xf32>
    %dot_general3A = arith.constant dense<0.000000e+00> : vector<2048x16xf32>
    %dot_general3A_5 = tpu.matmul %get3A_1, %get3A_4, %dot_general3A {dimension_numbers = #tpu.dot_dimension_numbers<[1], [1], [0], [0], [0, 0, 1, 0], [], []>, transpose_lhs_hint = false} : vector<2048x1024xf32>, vector<16x1024xf32>, vector<2048x16xf32> -> vector<2048x16xf32>
    %reduce_max3A = arith.constant dense<0xFF800000> : vector<2048xf32>
    %reduce_max3A_6 = vector.multi_reduction <maximumf>, %dot_general3A_5, %reduce_max3A [1] : vector<2048x16xf32> to vector<2048xf32>
    %broadcast_in_dim3A = vector.shape_cast %reduce_max3A_6 : vector<2048xf32> to vector<2048x1xf32>
    %sub3A = vector.broadcast %broadcast_in_dim3A : vector<2048x1xf32> to vector<2048x16xf32>
    %sub3A_7 = arith.subf %dot_general3A_5, %sub3A : vector<2048x16xf32>
    %exp3A = math.exp %sub3A_7 : vector<2048x16xf32>
    %reduce_sum3A = arith.constant dense<0.000000e+00> : vector<2048xf32>
    %reduce_sum3A_8 = vector.multi_reduction <add>, %exp3A, %reduce_sum3A [1] : vector<2048x16xf32> to vector<2048xf32>
    %broadcast_in_dim3A_9 = vector.shape_cast %reduce_sum3A_8 : vector<2048xf32> to vector<2048x1xf32>
    %div3A = vector.broadcast %broadcast_in_dim3A_9 : vector<2048x1xf32> to vector<2048x16xf32>
    %div3A_10 = arith.divf %exp3A, %div3A : vector<2048x16xf32>
    %get3A_11 = arith.constant 0 : index
    %get3A_12 = arith.constant 0 : index
    %get3A_13 = vector.load %arg2[%get3A_11, %get3A_12] : memref<1x16xf32, #tpu.memory_space<vmem>>, vector<1x16xf32>
    %add3A = vector.broadcast %get3A_13 : vector<1x16xf32> to vector<2048x16xf32>
    %add3A_14 = arith.addf %div3A_10, %add3A : vector<2048x16xf32>
    %iota3A = tpu.iota {dimensions = array<i32: 1>} : vector<2048x16xi32>
    %reduce_max3A_15 = arith.constant dense<0xFF800000> : vector<2048xf32>
    %reduce_max3A_16 = vector.multi_reduction <maximumf>, %add3A_14, %reduce_max3A_15 [1] : vector<2048x16xf32> to vector<2048xf32>
    %broadcast_in_dim3A_17 = vector.shape_cast %reduce_max3A_16 : vector<2048xf32> to vector<2048x1xf32>
    %eq3A = vector.broadcast %broadcast_in_dim3A_17 : vector<2048x1xf32> to vector<2048x16xf32>
    %eq3A_18 = arith.cmpf oeq, %add3A_14, %eq3A : vector<2048x16xf32>
    %jit3A = arith.constant 16 : i32
    %broadcast_in_dim3A_19 = vector.broadcast %jit3A : i32 to vector<2048x16xi32>
    %select_n3A = arith.select %eq3A_18, %iota3A, %broadcast_in_dim3A_19 : vector<2048x16xi1>, vector<2048x16xi32>
    %reduce_min3A = arith.constant dense<2147483647> : vector<2048xi32>
    %reduce_min3A_20 = vector.multi_reduction <minsi>, %select_n3A, %reduce_min3A [1] : vector<2048x16xi32> to vector<2048xi32>
    %broadcast_in_dim3A_21 = vector.shape_cast %reduce_min3A_20 : vector<2048xi32> to vector<2048x1xi32>
    %eq3A_22 = vector.broadcast %broadcast_in_dim3A_21 : vector<2048x1xi32> to vector<2048x16xi32>
    %eq3A_23 = arith.cmpi eq, %iota3A, %eq3A_22 : vector<2048x16xi32>
    %jit3A_24 = arith.constant -1.000000e+30 : f32
    %broadcast_in_dim3A_25 = vector.broadcast %jit3A_24 : f32 to vector<2048x16xf32>
    %select_n3A_26 = arith.select %eq3A_23, %broadcast_in_dim3A_25, %add3A_14 : vector<2048x16xi1>, vector<2048x16xf32>
    %reduce_max3A_27 = arith.constant dense<0xFF800000> : vector<2048xf32>
    %reduce_max3A_28 = vector.multi_reduction <maximumf>, %select_n3A_26, %reduce_max3A_27 [1] : vector<2048x16xf32> to vector<2048xf32>
    %broadcast_in_dim3A_29 = vector.shape_cast %reduce_max3A_28 : vector<2048xf32> to vector<2048x1xf32>
    %eq3A_30 = vector.broadcast %broadcast_in_dim3A_29 : vector<2048x1xf32> to vector<2048x16xf32>
    %eq3A_31 = arith.cmpf oeq, %select_n3A_26, %eq3A_30 : vector<2048x16xf32>
    %jit3A_32 = arith.constant 16 : i32
    %broadcast_in_dim3A_33 = vector.broadcast %jit3A_32 : i32 to vector<2048x16xi32>
    %select_n3A_34 = arith.select %eq3A_31, %iota3A, %broadcast_in_dim3A_33 : vector<2048x16xi1>, vector<2048x16xi32>
    %reduce_min3A_35 = arith.constant dense<2147483647> : vector<2048xi32>
    %reduce_min3A_36 = vector.multi_reduction <minsi>, %select_n3A_34, %reduce_min3A_35 [1] : vector<2048x16xi32> to vector<2048xi32>
    %broadcast_in_dim3A_37 = vector.shape_cast %reduce_min3A_36 : vector<2048xi32> to vector<2048x1xi32>
    %eq3A_38 = vector.broadcast %broadcast_in_dim3A_21 : vector<2048x1xi32> to vector<2048x16xi32>
    %eq3A_39 = arith.cmpi eq, %iota3A, %eq3A_38 : vector<2048x16xi32>
    %convert_element_type3A = arith.extui %eq3A_39 : vector<2048x16xi1> to vector<2048x16xi32>
    %convert_element_type3A_40 = arith.sitofp %convert_element_type3A : vector<2048x16xi32> to vector<2048x16xf32>
    %eq3A_41 = vector.broadcast %broadcast_in_dim3A_37 : vector<2048x1xi32> to vector<2048x16xi32>
    %eq3A_42 = arith.cmpi eq, %iota3A, %eq3A_41 : vector<2048x16xi32>
    %convert_element_type3A_43 = arith.extui %eq3A_42 : vector<2048x16xi1> to vector<2048x16xi32>
    %convert_element_type3A_44 = arith.sitofp %convert_element_type3A_43 : vector<2048x16xi32> to vector<2048x16xf32>
    %mul3A = arith.mulf %div3A_10, %convert_element_type3A_40 : vector<2048x16xf32>
    %reduce_sum3A_45 = arith.constant dense<0.000000e+00> : vector<2048xf32>
    %reduce_sum3A_46 = vector.multi_reduction <add>, %mul3A, %reduce_sum3A_45 [1] : vector<2048x16xf32> to vector<2048xf32>
    %broadcast_in_dim3A_47 = vector.shape_cast %reduce_sum3A_46 : vector<2048xf32> to vector<2048x1xf32>
    %swap3A = arith.constant 0 : index
    %swap3A_48 = arith.constant 0 : index
    %swap3A_49 = vector.load %arg4[%swap3A, %swap3A_48] : memref<2048x2xf32, #tpu.memory_space<vmem>>, vector<2048x1xf32>
    tpu.vector_store %arg4[%swap3A, %swap3A_48], %broadcast_in_dim3A_47 {strides = array<i32>} : memref<2048x2xf32, #tpu.memory_space<vmem>>, vector<2048x1xf32>,
    %mul3A_50 = arith.mulf %div3A_10, %convert_element_type3A_44 : vector<2048x16xf32>
    %reduce_sum3A_51 = arith.constant dense<0.000000e+00> : vector<2048xf32>
    %reduce_sum3A_52 = vector.multi_reduction <add>, %mul3A_50, %reduce_sum3A_51 [1] : vector<2048x16xf32> to vector<2048xf32>
    %broadcast_in_dim3A_53 = vector.shape_cast %reduce_sum3A_52 : vector<2048xf32> to vector<2048x1xf32>
    %swap3A_54 = arith.constant 0 : index
    %swap3A_55 = arith.constant 1 : index
    %swap3A_56 = vector.load %arg4[%swap3A_54, %swap3A_55] : memref<2048x2xf32, #tpu.memory_space<vmem>>, vector<2048x1xf32>
    tpu.vector_store %arg4[%swap3A_54, %swap3A_55], %broadcast_in_dim3A_53 {strides = array<i32>} : memref<2048x2xf32, #tpu.memory_space<vmem>>, vector<2048x1xf32>,
    %reduce_sum3A_57 = arith.constant dense<0.000000e+00> : vector<16xf32>
    %reduce_sum3A_58 = vector.multi_reduction <add>, %convert_element_type3A_40, %reduce_sum3A_57 [0] : vector<2048x16xf32> to vector<16xf32>
    %broadcast_in_dim3A_59 = vector.shape_cast %reduce_sum3A_58 : vector<16xf32> to vector<1x16xf32>
    %reduce_sum3A_60 = arith.constant dense<0.000000e+00> : vector<16xf32>
    %reduce_sum3A_61 = vector.multi_reduction <add>, %convert_element_type3A_44, %reduce_sum3A_60 [0] : vector<2048x16xf32> to vector<16xf32>
    %broadcast_in_dim3A_62 = vector.shape_cast %reduce_sum3A_61 : vector<16xf32> to vector<1x16xf32>
    %add3A_63 = arith.addf %broadcast_in_dim3A_59, %broadcast_in_dim3A_62 : vector<1x16xf32>
    %div3A_64 = arith.constant 2.560000e+02 : f32
    %div3A_65 = vector.broadcast %div3A_64 : f32 to vector<1x16xf32>
    %div3A_66 = arith.divf %add3A_63, %div3A_65 : vector<1x16xf32>
    %ceil3A = math.ceil %div3A_66 : vector<1x16xf32>
    %mul3A_67 = arith.constant 2.560000e+02 : f32
    %mul3A_68 = vector.broadcast %mul3A_67 : f32 to vector<1x16xf32>
    %mul3A_69 = arith.mulf %ceil3A, %mul3A_68 : vector<1x16xf32>
    %iota3A_70 = tpu.iota {dimensions = array<i32: 0>} : vector<16x16xi32>
    %iota3A_71 = tpu.iota {dimensions = array<i32: 1>} : vector<16x16xi32>
    %lt3A = arith.cmpi slt, %iota3A_70, %iota3A_71 : vector<16x16xi32>
    %convert_element_type3A_72 = arith.extui %lt3A : vector<16x16xi1> to vector<16x16xi32>
    %convert_element_type3A_73 = arith.sitofp %convert_element_type3A_72 : vector<16x16xi32> to vector<16x16xf32>
    %dot_general3A_74 = arith.constant dense<0.000000e+00> : vector<1x16xf32>
    %dot_general3A_75 = tpu.matmul %mul3A_69, %convert_element_type3A_73, %dot_general3A_74 {dimension_numbers = #tpu.dot_dimension_numbers<[1], [0], [0], [1], [0, 0, 1, 1], [], []>, transpose_lhs_hint = false} : vector<1x16xf32>, vector<16x16xf32>, vector<1x16xf32> -> vector<1x16xf32>
    %swap3A_76 = arith.constant 0 : index
    %swap3A_77 = arith.constant 0 : index
    %swap3A_78 = vector.load %arg5[%swap3A_76, %swap3A_77] : memref<8x16xf32, #tpu.memory_space<vmem>>, vector<1x16xf32>
    tpu.vector_store %arg5[%swap3A_76, %swap3A_77], %add3A_63 {strides = array<i32>} : memref<8x16xf32, #tpu.memory_space<vmem>>, vector<1x16xf32>,
    %swap3A_79 = arith.constant 1 : index
    %swap3A_80 = arith.constant 0 : index
    %swap3A_81 = vector.load %arg5[%swap3A_79, %swap3A_80] : memref<8x16xf32, #tpu.memory_space<vmem>>, vector<1x16xf32>
    tpu.vector_store %arg5[%swap3A_79, %swap3A_80], %dot_general3A_75 {strides = array<i32>} : memref<8x16xf32, #tpu.memory_space<vmem>>, vector<1x16xf32>,
    %broadcast_in_dim3A_82 = arith.constant 0.000000e+00 : f32
    %broadcast_in_dim3A_83 = vector.broadcast %broadcast_in_dim3A_82 : f32 to vector<6x16xf32>
    %swap3A_84 = arith.constant 2 : index
    %swap3A_85 = arith.constant 0 : index
    %swap3A_86 = vector.load %arg5[%swap3A_84, %swap3A_85] : memref<8x16xf32, #tpu.memory_space<vmem>>, vector<6x16xf32>
    tpu.vector_store %arg5[%swap3A_84, %swap3A_85], %broadcast_in_dim3A_83 {strides = array<i32>} : memref<8x16xf32, #tpu.memory_space<vmem>>, vector<6x16xf32>,
    %iota3A_87 = tpu.iota {dimensions = array<i32: 0>} : vector<512x512xi32>
    %iota3A_88 = tpu.iota {dimensions = array<i32: 1>} : vector<512x512xi32>
    %lt3A_89 = arith.cmpi slt, %iota3A_88, %iota3A_87 : vector<512x512xi32>
    %convert_element_type3A_90 = arith.extui %lt3A_89 : vector<512x512xi1> to vector<512x512xi32>
    %convert_element_type3A_91 = arith.sitofp %convert_element_type3A_90 : vector<512x512xi32> to vector<512x512xf32>
    %broadcast_in_dim3A_92 = arith.constant 0.000000e+00 : f32
    %broadcast_in_dim3A_93 = vector.broadcast %broadcast_in_dim3A_92 : f32 to vector<1x16xf32>
    %slice3A = vector.extract_strided_slice %convert_element_type3A_40 {offsets = [0, 0], sizes = [512, 16], strides = [1, 1]} : vector<2048x16xf32> to vector<512x16xf32>
    %dot_general3A_94 = arith.constant dense<0.000000e+00> : vector<512x16xf32>
    %dot_general3A_95 = tpu.matmul %convert_element_type3A_91, %slice3A, %dot_general3A_94 {dimension_numbers = #tpu.dot_dimension_numbers<[1], [0], [0], [1], [0, 0, 1, 1], [], []>, transpose_lhs_hint = false} : vector<512x512xf32>, vector<512x16xf32>, vector<512x16xf32> -> vector<512x16xf32>
    %add3A_96 = vector.broadcast %broadcast_in_dim3A_93 : vector<1x16xf32> to vector<512x16xf32>
    %add3A_97 = arith.addf %dot_general3A_95, %add3A_96 : vector<512x16xf32>
    %add3A_98 = vector.broadcast %dot_general3A_75 : vector<1x16xf32> to vector<512x16xf32>
    %add3A_99 = arith.addf %add3A_97, %add3A_98 : vector<512x16xf32>
    %mul3A_100 = arith.mulf %add3A_99, %slice3A : vector<512x16xf32>
    %reduce_sum3A_101 = arith.constant dense<0.000000e+00> : vector<512xf32>
    %reduce_sum3A_102 = vector.multi_reduction <add>, %mul3A_100, %reduce_sum3A_101 [1] : vector<512x16xf32> to vector<512xf32>
    %broadcast_in_dim3A_103 = vector.shape_cast %reduce_sum3A_102 : vector<512xf32> to vector<512x1xf32>
    %convert_element_type3A_104 = arith.fptosi %broadcast_in_dim3A_103 : vector<512x1xf32> to vector<512x1xi32>
    %swap3A_105 = arith.constant 0 : index
    %swap3A_106 = arith.constant 0 : index
    %swap3A_107 = vector.load %arg3[%swap3A_105, %swap3A_106] : memref<2048x2xi32, #tpu.memory_space<vmem>>, vector<512x1xi32>
    tpu.vector_store %arg3[%swap3A_105, %swap3A_106], %convert_element_type3A_104 {strides = array<i32>} : memref<2048x2xi32, #tpu.memory_space<vmem>>, vector<512x1xi32>,
    %reduce_sum3A_108 = arith.constant dense<0.000000e+00> : vector<16xf32>
    %reduce_sum3A_109 = vector.multi_reduction <add>, %slice3A, %reduce_sum3A_108 [0] : vector<512x16xf32> to vector<16xf32>
    %broadcast_in_dim3A_110 = vector.shape_cast %reduce_sum3A_109 : vector<16xf32> to vector<1x16xf32>
    %add3A_111 = arith.addf %broadcast_in_dim3A_93, %broadcast_in_dim3A_110 : vector<1x16xf32>
    %slice3A_112 = vector.extract_strided_slice %convert_element_type3A_40 {offsets = [512, 0], sizes = [512, 16], strides = [1, 1]} : vector<2048x16xf32> to vector<512x16xf32>
    %dot_general3A_113 = arith.constant dense<0.000000e+00> : vector<512x16xf32>
    %dot_general3A_114 = tpu.matmul %convert_element_type3A_91, %slice3A_112, %dot_general3A_113 {dimension_numbers = #tpu.dot_dimension_numbers<[1], [0], [0], [1], [0, 0, 1, 1], [], []>, transpose_lhs_hint = false} : vector<512x512xf32>, vector<512x16xf32>, vector<512x16xf32> -> vector<512x16xf32>
    %add3A_115 = vector.broadcast %add3A_111 : vector<1x16xf32> to vector<512x16xf32>
    %add3A_116 = arith.addf %dot_general3A_114, %add3A_115 : vector<512x16xf32>
    %add3A_117 = vector.broadcast %dot_general3A_75 : vector<1x16xf32> to vector<512x16xf32>
    %add3A_118 = arith.addf %add3A_116, %add3A_117 : vector<512x16xf32>
    %mul3A_119 = arith.mulf %add3A_118, %slice3A_112 : vector<512x16xf32>
    %reduce_sum3A_120 = arith.constant dense<0.000000e+00> : vector<512xf32>
    %reduce_sum3A_121 = vector.multi_reduction <add>, %mul3A_119, %reduce_sum3A_120 [1] : vector<512x16xf32> to vector<512xf32>
    %broadcast_in_dim3A_122 = vector.shape_cast %reduce_sum3A_121 : vector<512xf32> to vector<512x1xf32>
    %convert_element_type3A_123 = arith.fptosi %broadcast_in_dim3A_122 : vector<512x1xf32> to vector<512x1xi32>
    %swap3A_124 = arith.constant 512 : index
    %swap3A_125 = arith.constant 0 : index
    %swap3A_126 = vector.load %arg3[%swap3A_124, %swap3A_125] : memref<2048x2xi32, #tpu.memory_space<vmem>>, vector<512x1xi32>
    tpu.vector_store %arg3[%swap3A_124, %swap3A_125], %convert_element_type3A_123 {strides = array<i32>} : memref<2048x2xi32, #tpu.memory_space<vmem>>, vector<512x1xi32>,
    %reduce_sum3A_127 = arith.constant dense<0.000000e+00> : vector<16xf32>
    %reduce_sum3A_128 = vector.multi_reduction <add>, %slice3A_112, %reduce_sum3A_127 [0] : vector<512x16xf32> to vector<16xf32>
    %broadcast_in_dim3A_129 = vector.shape_cast %reduce_sum3A_128 : vector<16xf32> to vector<1x16xf32>
    %add3A_130 = arith.addf %add3A_111, %broadcast_in_dim3A_129 : vector<1x16xf32>
    %slice3A_131 = vector.extract_strided_slice %convert_element_type3A_40 {offsets = [1024, 0], sizes = [512, 16], strides = [1, 1]} : vector<2048x16xf32> to vector<512x16xf32>
    %dot_general3A_132 = arith.constant dense<0.000000e+00> : vector<512x16xf32>
    %dot_general3A_133 = tpu.matmul %convert_element_type3A_91, %slice3A_131, %dot_general3A_132 {dimension_numbers = #tpu.dot_dimension_numbers<[1], [0], [0], [1], [0, 0, 1, 1], [], []>, transpose_lhs_hint = false} : vector<512x512xf32>, vector<512x16xf32>, vector<512x16xf32> -> vector<512x16xf32>
    %add3A_134 = vector.broadcast %add3A_130 : vector<1x16xf32> to vector<512x16xf32>
    %add3A_135 = arith.addf %dot_general3A_133, %add3A_134 : vector<512x16xf32>
    %add3A_136 = vector.broadcast %dot_general3A_75 : vector<1x16xf32> to vector<512x16xf32>
    %add3A_137 = arith.addf %add3A_135, %add3A_136 : vector<512x16xf32>
    %mul3A_138 = arith.mulf %add3A_137, %slice3A_131 : vector<512x16xf32>
    %reduce_sum3A_139 = arith.constant dense<0.000000e+00> : vector<512xf32>
    %reduce_sum3A_140 = vector.multi_reduction <add>, %mul3A_138, %reduce_sum3A_139 [1] : vector<512x16xf32> to vector<512xf32>
    %broadcast_in_dim3A_141 = vector.shape_cast %reduce_sum3A_140 : vector<512xf32> to vector<512x1xf32>
    %convert_element_type3A_142 = arith.fptosi %broadcast_in_dim3A_141 : vector<512x1xf32> to vector<512x1xi32>
    %swap3A_143 = arith.constant 1024 : index
    %swap3A_144 = arith.constant 0 : index
    %swap3A_145 = vector.load %arg3[%swap3A_143, %swap3A_144] : memref<2048x2xi32, #tpu.memory_space<vmem>>, vector<512x1xi32>
    tpu.vector_store %arg3[%swap3A_143, %swap3A_144], %convert_element_type3A_142 {strides = array<i32>} : memref<2048x2xi32, #tpu.memory_space<vmem>>, vector<512x1xi32>,
    %reduce_sum3A_146 = arith.constant dense<0.000000e+00> : vector<16xf32>
    %reduce_sum3A_147 = vector.multi_reduction <add>, %slice3A_131, %reduce_sum3A_146 [0] : vector<512x16xf32> to vector<16xf32>
    %broadcast_in_dim3A_148 = vector.shape_cast %reduce_sum3A_147 : vector<16xf32> to vector<1x16xf32>
    %add3A_149 = arith.addf %add3A_130, %broadcast_in_dim3A_148 : vector<1x16xf32>
    %slice3A_150 = vector.extract_strided_slice %convert_element_type3A_40 {offsets = [1536, 0], sizes = [512, 16], strides = [1, 1]} : vector<2048x16xf32> to vector<512x16xf32>
    %dot_general3A_151 = arith.constant dense<0.000000e+00> : vector<512x16xf32>
    %dot_general3A_152 = tpu.matmul %convert_element_type3A_91, %slice3A_150, %dot_general3A_151 {dimension_numbers = #tpu.dot_dimension_numbers<[1], [0], [0], [1], [0, 0, 1, 1], [], []>, transpose_lhs_hint = false} : vector<512x512xf32>, vector<512x16xf32>, vector<512x16xf32> -> vector<512x16xf32>
    %add3A_153 = vector.broadcast %add3A_149 : vector<1x16xf32> to vector<512x16xf32>
    %add3A_154 = arith.addf %dot_general3A_152, %add3A_153 : vector<512x16xf32>
    %add3A_155 = vector.broadcast %dot_general3A_75 : vector<1x16xf32> to vector<512x16xf32>
    %add3A_156 = arith.addf %add3A_154, %add3A_155 : vector<512x16xf32>
    %mul3A_157 = arith.mulf %add3A_156, %slice3A_150 : vector<512x16xf32>
    %reduce_sum3A_158 = arith.constant dense<0.000000e+00> : vector<512xf32>
    %reduce_sum3A_159 = vector.multi_reduction <add>, %mul3A_157, %reduce_sum3A_158 [1] : vector<512x16xf32> to vector<512xf32>
    %broadcast_in_dim3A_160 = vector.shape_cast %reduce_sum3A_159 : vector<512xf32> to vector<512x1xf32>
    %convert_element_type3A_161 = arith.fptosi %broadcast_in_dim3A_160 : vector<512x1xf32> to vector<512x1xi32>
    %swap3A_162 = arith.constant 1536 : index
    %swap3A_163 = arith.constant 0 : index
    %swap3A_164 = vector.load %arg3[%swap3A_162, %swap3A_163] : memref<2048x2xi32, #tpu.memory_space<vmem>>, vector<512x1xi32>
    tpu.vector_store %arg3[%swap3A_162, %swap3A_163], %convert_element_type3A_161 {strides = array<i32>} : memref<2048x2xi32, #tpu.memory_space<vmem>>, vector<512x1xi32>,
    %reduce_sum3A_165 = arith.constant dense<0.000000e+00> : vector<16xf32>
    %reduce_sum3A_166 = vector.multi_reduction <add>, %slice3A_150, %reduce_sum3A_165 [0] : vector<512x16xf32> to vector<16xf32>
    %broadcast_in_dim3A_167 = vector.shape_cast %reduce_sum3A_166 : vector<16xf32> to vector<1x16xf32>
    %add3A_168 = arith.addf %add3A_149, %broadcast_in_dim3A_167 : vector<1x16xf32>
    %slice3A_169 = vector.extract_strided_slice %convert_element_type3A_44 {offsets = [0, 0], sizes = [512, 16], strides = [1, 1]} : vector<2048x16xf32> to vector<512x16xf32>
    %dot_general3A_170 = arith.constant dense<0.000000e+00> : vector<512x16xf32>
    %dot_general3A_171 = tpu.matmul %convert_element_type3A_91, %slice3A_169, %dot_general3A_170 {dimension_numbers = #tpu.dot_dimension_numbers<[1], [0], [0], [1], [0, 0, 1, 1], [], []>, transpose_lhs_hint = false} : vector<512x512xf32>, vector<512x16xf32>, vector<512x16xf32> -> vector<512x16xf32>
    %add3A_172 = vector.broadcast %add3A_168 : vector<1x16xf32> to vector<512x16xf32>
    %add3A_173 = arith.addf %dot_general3A_171, %add3A_172 : vector<512x16xf32>
    %add3A_174 = vector.broadcast %dot_general3A_75 : vector<1x16xf32> to vector<512x16xf32>
    %add3A_175 = arith.addf %add3A_173, %add3A_174 : vector<512x16xf32>
    %mul3A_176 = arith.mulf %add3A_175, %slice3A_169 : vector<512x16xf32>
    %reduce_sum3A_177 = arith.constant dense<0.000000e+00> : vector<512xf32>
    %reduce_sum3A_178 = vector.multi_reduction <add>, %mul3A_176, %reduce_sum3A_177 [1] : vector<512x16xf32> to vector<512xf32>
    %broadcast_in_dim3A_179 = vector.shape_cast %reduce_sum3A_178 : vector<512xf32> to vector<512x1xf32>
    %convert_element_type3A_180 = arith.fptosi %broadcast_in_dim3A_179 : vector<512x1xf32> to vector<512x1xi32>
    %swap3A_181 = arith.constant 0 : index
    %swap3A_182 = arith.constant 1 : index
    %swap3A_183 = vector.load %arg3[%swap3A_181, %swap3A_182] : memref<2048x2xi32, #tpu.memory_space<vmem>>, vector<512x1xi32>
    tpu.vector_store %arg3[%swap3A_181, %swap3A_182], %convert_element_type3A_180 {strides = array<i32>} : memref<2048x2xi32, #tpu.memory_space<vmem>>, vector<512x1xi32>,
    %reduce_sum3A_184 = arith.constant dense<0.000000e+00> : vector<16xf32>
    %reduce_sum3A_185 = vector.multi_reduction <add>, %slice3A_169, %reduce_sum3A_184 [0] : vector<512x16xf32> to vector<16xf32>
    %broadcast_in_dim3A_186 = vector.shape_cast %reduce_sum3A_185 : vector<16xf32> to vector<1x16xf32>
    %add3A_187 = arith.addf %add3A_168, %broadcast_in_dim3A_186 : vector<1x16xf32>
    %slice3A_188 = vector.extract_strided_slice %convert_element_type3A_44 {offsets = [512, 0], sizes = [512, 16], strides = [1, 1]} : vector<2048x16xf32> to vector<512x16xf32>
    %dot_general3A_189 = arith.constant dense<0.000000e+00> : vector<512x16xf32>
    %dot_general3A_190 = tpu.matmul %convert_element_type3A_91, %slice3A_188, %dot_general3A_189 {dimension_numbers = #tpu.dot_dimension_numbers<[1], [0], [0], [1], [0, 0, 1, 1], [], []>, transpose_lhs_hint = false} : vector<512x512xf32>, vector<512x16xf32>, vector<512x16xf32> -> vector<512x16xf32>
    %add3A_191 = vector.broadcast %add3A_187 : vector<1x16xf32> to vector<512x16xf32>
    %add3A_192 = arith.addf %dot_general3A_190, %add3A_191 : vector<512x16xf32>
    %add3A_193 = vector.broadcast %dot_general3A_75 : vector<1x16xf32> to vector<512x16xf32>
    %add3A_194 = arith.addf %add3A_192, %add3A_193 : vector<512x16xf32>
    %mul3A_195 = arith.mulf %add3A_194, %slice3A_188 : vector<512x16xf32>
    %reduce_sum3A_196 = arith.constant dense<0.000000e+00> : vector<512xf32>
    %reduce_sum3A_197 = vector.multi_reduction <add>, %mul3A_195, %reduce_sum3A_196 [1] : vector<512x16xf32> to vector<512xf32>
    %broadcast_in_dim3A_198 = vector.shape_cast %reduce_sum3A_197 : vector<512xf32> to vector<512x1xf32>
    %convert_element_type3A_199 = arith.fptosi %broadcast_in_dim3A_198 : vector<512x1xf32> to vector<512x1xi32>
    %swap3A_200 = arith.constant 512 : index
    %swap3A_201 = arith.constant 1 : index
    %swap3A_202 = vector.load %arg3[%swap3A_200, %swap3A_201] : memref<2048x2xi32, #tpu.memory_space<vmem>>, vector<512x1xi32>
    tpu.vector_store %arg3[%swap3A_200, %swap3A_201], %convert_element_type3A_199 {strides = array<i32>} : memref<2048x2xi32, #tpu.memory_space<vmem>>, vector<512x1xi32>,
    %reduce_sum3A_203 = arith.constant dense<0.000000e+00> : vector<16xf32>
    %reduce_sum3A_204 = vector.multi_reduction <add>, %slice3A_188, %reduce_sum3A_203 [0] : vector<512x16xf32> to vector<16xf32>
    %broadcast_in_dim3A_205 = vector.shape_cast %reduce_sum3A_204 : vector<16xf32> to vector<1x16xf32>
    %add3A_206 = arith.addf %add3A_187, %broadcast_in_dim3A_205 : vector<1x16xf32>
    %slice3A_207 = vector.extract_strided_slice %convert_element_type3A_44 {offsets = [1024, 0], sizes = [512, 16], strides = [1, 1]} : vector<2048x16xf32> to vector<512x16xf32>
    %dot_general3A_208 = arith.constant dense<0.000000e+00> : vector<512x16xf32>
    %dot_general3A_209 = tpu.matmul %convert_element_type3A_91, %slice3A_207, %dot_general3A_208 {dimension_numbers = #tpu.dot_dimension_numbers<[1], [0], [0], [1], [0, 0, 1, 1], [], []>, transpose_lhs_hint = false} : vector<512x512xf32>, vector<512x16xf32>, vector<512x16xf32> -> vector<512x16xf32>
    %add3A_210 = vector.broadcast %add3A_206 : vector<1x16xf32> to vector<512x16xf32>
    %add3A_211 = arith.addf %dot_general3A_209, %add3A_210 : vector<512x16xf32>
    %add3A_212 = vector.broadcast %dot_general3A_75 : vector<1x16xf32> to vector<512x16xf32>
    %add3A_213 = arith.addf %add3A_211, %add3A_212 : vector<512x16xf32>
    %mul3A_214 = arith.mulf %add3A_213, %slice3A_207 : vector<512x16xf32>
    %reduce_sum3A_215 = arith.constant dense<0.000000e+00> : vector<512xf32>
    %reduce_sum3A_216 = vector.multi_reduction <add>, %mul3A_214, %reduce_sum3A_215 [1] : vector<512x16xf32> to vector<512xf32>
    %broadcast_in_dim3A_217 = vector.shape_cast %reduce_sum3A_216 : vector<512xf32> to vector<512x1xf32>
    %convert_element_type3A_218 = arith.fptosi %broadcast_in_dim3A_217 : vector<512x1xf32> to vector<512x1xi32>
    %swap3A_219 = arith.constant 1024 : index
    %swap3A_220 = arith.constant 1 : index
    %swap3A_221 = vector.load %arg3[%swap3A_219, %swap3A_220] : memref<2048x2xi32, #tpu.memory_space<vmem>>, vector<512x1xi32>
    tpu.vector_store %arg3[%swap3A_219, %swap3A_220], %convert_element_type3A_218 {strides = array<i32>} : memref<2048x2xi32, #tpu.memory_space<vmem>>, vector<512x1xi32>,
    %reduce_sum3A_222 = arith.constant dense<0.000000e+00> : vector<16xf32>
    %reduce_sum3A_223 = vector.multi_reduction <add>, %slice3A_207, %reduce_sum3A_222 [0] : vector<512x16xf32> to vector<16xf32>
    %broadcast_in_dim3A_224 = vector.shape_cast %reduce_sum3A_223 : vector<16xf32> to vector<1x16xf32>
    %add3A_225 = arith.addf %add3A_206, %broadcast_in_dim3A_224 : vector<1x16xf32>
    %slice3A_226 = vector.extract_strided_slice %convert_element_type3A_44 {offsets = [1536, 0], sizes = [512, 16], strides = [1, 1]} : vector<2048x16xf32> to vector<512x16xf32>
    %dot_general3A_227 = arith.constant dense<0.000000e+00> : vector<512x16xf32>
    %dot_general3A_228 = tpu.matmul %convert_element_type3A_91, %slice3A_226, %dot_general3A_227 {dimension_numbers = #tpu.dot_dimension_numbers<[1], [0], [0], [1], [0, 0, 1, 1], [], []>, transpose_lhs_hint = false} : vector<512x512xf32>, vector<512x16xf32>, vector<512x16xf32> -> vector<512x16xf32>
    %add3A_229 = vector.broadcast %add3A_225 : vector<1x16xf32> to vector<512x16xf32>
    %add3A_230 = arith.addf %dot_general3A_228, %add3A_229 : vector<512x16xf32>
    %add3A_231 = vector.broadcast %dot_general3A_75 : vector<1x16xf32> to vector<512x16xf32>
    %add3A_232 = arith.addf %add3A_230, %add3A_231 : vector<512x16xf32>
    %mul3A_233 = arith.mulf %add3A_232, %slice3A_226 : vector<512x16xf32>
    %reduce_sum3A_234 = arith.constant dense<0.000000e+00> : vector<512xf32>
    %reduce_sum3A_235 = vector.multi_reduction <add>, %mul3A_233, %reduce_sum3A_234 [1] : vector<512x16xf32> to vector<512xf32>
    %broadcast_in_dim3A_236 = vector.shape_cast %reduce_sum3A_235 : vector<512xf32> to vector<512x1xf32>
    %convert_element_type3A_237 = arith.fptosi %broadcast_in_dim3A_236 : vector<512x1xf32> to vector<512x1xi32>
    %swap3A_238 = arith.constant 1536 : index
    %swap3A_239 = arith.constant 1 : index
    %swap3A_240 = vector.load %arg3[%swap3A_238, %swap3A_239] : memref<2048x2xi32, #tpu.memory_space<vmem>>, vector<512x1xi32>
    tpu.vector_store %arg3[%swap3A_238, %swap3A_239], %convert_element_type3A_237 {strides = array<i32>} : memref<2048x2xi32, #tpu.memory_space<vmem>>, vector<512x1xi32>,
    return
  }
}

module attributes {stable_mosaic.version = 14 : i64} {
  func.func @_ffn_body(%arg0: i32, %arg1: memref<32xi32, #tpu.memory_space<smem>>, %arg2: memref<256x1024xf32, #tpu.memory_space<vmem>>, %arg3: memref<1x512x1024xf32, #tpu.memory_space<vmem>>, %arg4: memref<1x512x1024xf32, #tpu.memory_space<vmem>>, %arg5: memref<1x1024x512xf32, #tpu.memory_space<vmem>>, %arg6: memref<1x1x512xf32, #tpu.memory_space<vmem>>, %arg7: memref<1x1x512xf32, #tpu.memory_space<vmem>>, %arg8: memref<1x1x1024xf32, #tpu.memory_space<vmem>>, %arg9: memref<256x1024xf32, #tpu.memory_space<vmem>>, %arg10: memref<512x1024xbf16, #tpu.memory_space<vmem>>, %arg11: memref<512x1024xbf16, #tpu.memory_space<vmem>>, %arg12: memref<1024x512xbf16, #tpu.memory_space<vmem>>) attributes {dimension_semantics = [#tpu.dimension_semantics<arbitrary>], iteration_bounds = array<i64: 32>, scalar_prefetch = 1 : i64, scratch_operands = 3 : i64, tpu.core_type = #tpu.core_type<tc>, window_params = [{transform_indices = @transform_0, window_bounds = array<i64: 256, 1024>}, {transform_indices = @transform_1, window_bounds = array<i64: 1, 512, 1024>}, {transform_indices = @transform_2, window_bounds = array<i64: 1, 512, 1024>}, {transform_indices = @transform_3, window_bounds = array<i64: 1, 1024, 512>}, {transform_indices = @transform_4, window_bounds = array<i64: 1, 1, 512>}, {transform_indices = @transform_5, window_bounds = array<i64: 1, 1, 512>}, {transform_indices = @transform_6, window_bounds = array<i64: 1, 1, 1024>}, {transform_indices = @transform_7, window_bounds = array<i64: 256, 1024>}]} {
    %sub3A = arith.constant 1 : i32
    %sub3A_0 = arith.subi %arg0, %sub3A : i32
    %max3A = arith.constant 0 : i32
    %max3A_1 = arith.maxsi %sub3A_0, %max3A : i32
    %get3A = arith.index_cast %max3A_1 : i32 to index
    %get3A_2 = memref.load %arg1[%get3A] : memref<32xi32, #tpu.memory_space<smem>>
    %eq3A = arith.constant 0 : i32
    %eq3A_3 = arith.cmpi eq, %arg0, %eq3A : i32
    %get3A_4 = arith.index_cast %arg0 : i32 to index
    %get3A_5 = memref.load %arg1[%get3A_4] : memref<32xi32, #tpu.memory_space<smem>>
    %ne3A = arith.cmpi ne, %get3A_5, %get3A_2 : i32
    %or3A = arith.ori %eq3A_3, %ne3A : i1
    %convert_element_type3A = arith.extui %or3A : i1 to i32
    %cond3A = arith.constant 0 : i32
    %cond3A_6 = arith.cmpi ne, %convert_element_type3A, %cond3A : i32
    scf.if %cond3A_6 {
      %get3A_54 = arith.constant 0 : index
      %get3A_55 = arith.constant 0 : index
      %get3A_56 = arith.constant 0 : index
      %get3A_57 = vector.load %arg3[%get3A_54, %get3A_55, %get3A_56] : memref<1x512x1024xf32, #tpu.memory_space<vmem>>, vector<1x512x1024xf32>
      %get3A_58 = vector.shape_cast %get3A_57 : vector<1x512x1024xf32> to vector<512x1024xf32>
      %convert_element_type3A_59 = arith.truncf %get3A_58 : vector<512x1024xf32> to vector<512x1024xbf16>
      %swap3A_60 = arith.constant 0 : index
      %swap3A_61 = arith.constant 0 : index
      %swap3A_62 = vector.load %arg10[%swap3A_60, %swap3A_61] : memref<512x1024xbf16, #tpu.memory_space<vmem>>, vector<512x1024xbf16>
      tpu.vector_store %arg10[%swap3A_60, %swap3A_61], %convert_element_type3A_59 {strides = array<i32>} : memref<512x1024xbf16, #tpu.memory_space<vmem>>, vector<512x1024xbf16>,
      %get3A_63 = arith.constant 0 : index
      %get3A_64 = arith.constant 0 : index
      %get3A_65 = arith.constant 0 : index
      %get3A_66 = vector.load %arg4[%get3A_63, %get3A_64, %get3A_65] : memref<1x512x1024xf32, #tpu.memory_space<vmem>>, vector<1x512x1024xf32>
      %get3A_67 = vector.shape_cast %get3A_66 : vector<1x512x1024xf32> to vector<512x1024xf32>
      %convert_element_type3A_68 = arith.truncf %get3A_67 : vector<512x1024xf32> to vector<512x1024xbf16>
      %swap3A_69 = arith.constant 0 : index
      %swap3A_70 = arith.constant 0 : index
      %swap3A_71 = vector.load %arg11[%swap3A_69, %swap3A_70] : memref<512x1024xbf16, #tpu.memory_space<vmem>>, vector<512x1024xbf16>
      tpu.vector_store %arg11[%swap3A_69, %swap3A_70], %convert_element_type3A_68 {strides = array<i32>} : memref<512x1024xbf16, #tpu.memory_space<vmem>>, vector<512x1024xbf16>,
      %get3A_72 = arith.constant 0 : index
      %get3A_73 = arith.constant 0 : index
      %get3A_74 = arith.constant 0 : index
      %get3A_75 = vector.load %arg5[%get3A_72, %get3A_73, %get3A_74] : memref<1x1024x512xf32, #tpu.memory_space<vmem>>, vector<1x1024x512xf32>
      %get3A_76 = vector.shape_cast %get3A_75 : vector<1x1024x512xf32> to vector<1024x512xf32>
      %convert_element_type3A_77 = arith.truncf %get3A_76 : vector<1024x512xf32> to vector<1024x512xbf16>
      %swap3A_78 = arith.constant 0 : index
      %swap3A_79 = arith.constant 0 : index
      %swap3A_80 = vector.load %arg12[%swap3A_78, %swap3A_79] : memref<1024x512xbf16, #tpu.memory_space<vmem>>, vector<1024x512xbf16>
      tpu.vector_store %arg12[%swap3A_78, %swap3A_79], %convert_element_type3A_77 {strides = array<i32>} : memref<1024x512xbf16, #tpu.memory_space<vmem>>, vector<1024x512xbf16>,
    } else {
    }
    %get3A_7 = arith.constant 0 : index
    %get3A_8 = arith.constant 0 : index
    %get3A_9 = vector.load %arg2[%get3A_7, %get3A_8] : memref<256x1024xf32, #tpu.memory_space<vmem>>, vector<256x1024xf32>
    %convert_element_type3A_10 = arith.truncf %get3A_9 : vector<256x1024xf32> to vector<256x1024xbf16>
    %get3A_11 = arith.constant 0 : index
    %get3A_12 = arith.constant 0 : index
    %get3A_13 = vector.load %arg10[%get3A_11, %get3A_12] : memref<512x1024xbf16, #tpu.memory_space<vmem>>, vector<512x1024xbf16>
    %dot_general3A = arith.constant dense<0.000000e+00> : vector<256x512xf32>
    %dot_general3A_14 = tpu.matmul %convert_element_type3A_10, %get3A_13, %dot_general3A {dimension_numbers = #tpu.dot_dimension_numbers<[1], [1], [0], [0], [0, 0, 1, 0], [], []>, transpose_lhs_hint = false} : vector<256x1024xbf16>, vector<512x1024xbf16>, vector<256x512xf32> -> vector<256x512xf32>
    %get3A_15 = arith.constant 0 : index
    %get3A_16 = arith.constant 0 : index
    %get3A_17 = arith.constant 0 : index
    %get3A_18 = vector.load %arg6[%get3A_15, %get3A_16, %get3A_17] : memref<1x1x512xf32, #tpu.memory_space<vmem>>, vector<1x1x512xf32>
    %get3A_19 = vector.shape_cast %get3A_18 : vector<1x1x512xf32> to vector<1x512xf32>
    %add3A = vector.broadcast %get3A_19 : vector<1x512xf32> to vector<256x512xf32>
    %add3A_20 = arith.addf %dot_general3A_14, %add3A : vector<256x512xf32>
    %get3A_21 = arith.constant 0 : index
    %get3A_22 = arith.constant 0 : index
    %get3A_23 = vector.load %arg11[%get3A_21, %get3A_22] : memref<512x1024xbf16, #tpu.memory_space<vmem>>, vector<512x1024xbf16>
    %dot_general3A_24 = arith.constant dense<0.000000e+00> : vector<256x512xf32>
    %dot_general3A_25 = tpu.matmul %convert_element_type3A_10, %get3A_23, %dot_general3A_24 {dimension_numbers = #tpu.dot_dimension_numbers<[1], [1], [0], [0], [0, 0, 1, 0], [], []>, transpose_lhs_hint = false} : vector<256x1024xbf16>, vector<512x1024xbf16>, vector<256x512xf32> -> vector<256x512xf32>
    %get3A_26 = arith.constant 0 : index
    %get3A_27 = arith.constant 0 : index
    %get3A_28 = arith.constant 0 : index
    %get3A_29 = vector.load %arg7[%get3A_26, %get3A_27, %get3A_28] : memref<1x1x512xf32, #tpu.memory_space<vmem>>, vector<1x1x512xf32>
    %get3A_30 = vector.shape_cast %get3A_29 : vector<1x1x512xf32> to vector<1x512xf32>
    %add3A_31 = vector.broadcast %get3A_30 : vector<1x512xf32> to vector<256x512xf32>
    %add3A_32 = arith.addf %dot_general3A_25, %add3A_31 : vector<256x512xf32>
    %mul3A = arith.mulf %add3A_20, %add3A_32 : vector<256x512xf32>
    %logistic3A = arith.negf %mul3A : vector<256x512xf32>
    %logistic3A_33 = math.exp %logistic3A : vector<256x512xf32>
    %logistic3A_34 = arith.constant 1.000000e+00 : f32
    %logistic3A_35 = vector.broadcast %logistic3A_34 : f32 to vector<256x512xf32>
    %logistic3A_36 = arith.addf %logistic3A_35, %logistic3A_33 : vector<256x512xf32>
    %logistic3A_37 = arith.divf %logistic3A_35, %logistic3A_36 : vector<256x512xf32>
    %mul3A_38 = arith.mulf %mul3A, %logistic3A_37 : vector<256x512xf32>
    %convert_element_type3A_39 = arith.truncf %mul3A_38 : vector<256x512xf32> to vector<256x512xbf16>
    %get3A_40 = arith.constant 0 : index
    %get3A_41 = arith.constant 0 : index
    %get3A_42 = vector.load %arg12[%get3A_40, %get3A_41] : memref<1024x512xbf16, #tpu.memory_space<vmem>>, vector<1024x512xbf16>
    %dot_general3A_43 = arith.constant dense<0.000000e+00> : vector<256x1024xf32>
    %dot_general3A_44 = tpu.matmul %convert_element_type3A_39, %get3A_42, %dot_general3A_43 {dimension_numbers = #tpu.dot_dimension_numbers<[1], [1], [0], [0], [0, 0, 1, 0], [], []>, transpose_lhs_hint = false} : vector<256x512xbf16>, vector<1024x512xbf16>, vector<256x1024xf32> -> vector<256x1024xf32>
    %get3A_45 = arith.constant 0 : index
    %get3A_46 = arith.constant 0 : index
    %get3A_47 = arith.constant 0 : index
    %get3A_48 = vector.load %arg8[%get3A_45, %get3A_46, %get3A_47] : memref<1x1x1024xf32, #tpu.memory_space<vmem>>, vector<1x1x1024xf32>
    %get3A_49 = vector.shape_cast %get3A_48 : vector<1x1x1024xf32> to vector<1x1024xf32>
    %add3A_50 = vector.broadcast %get3A_49 : vector<1x1024xf32> to vector<256x1024xf32>
    %add3A_51 = arith.addf %dot_general3A_44, %add3A_50 : vector<256x1024xf32>
    %swap3A = arith.constant 0 : index
    %swap3A_52 = arith.constant 0 : index
    %swap3A_53 = vector.load %arg9[%swap3A, %swap3A_52] : memref<256x1024xf32, #tpu.memory_space<vmem>>, vector<256x1024xf32>
    tpu.vector_store %arg9[%swap3A, %swap3A_52], %add3A_51 {strides = array<i32>} : memref<256x1024xf32, #tpu.memory_space<vmem>>, vector<256x1024xf32>,
    return
  }
  func.func @transform_0(%arg0: i32, %arg1: memref<32xi32, #tpu.memory_space<smem>>) -> (i32, i32) {
    %c0_i32 = arith.constant 0 : i32
    %c0_i32_0 = arith.constant 0 : i32
    return %arg0, %c0_i32 : i32, i32
  }
  func.func @transform_1(%arg0: i32, %arg1: memref<32xi32, #tpu.memory_space<smem>>) -> (i32, i32, i32) {
    %get3A = arith.index_cast %arg0 : i32 to index
    %get3A_0 = memref.load %arg1[%get3A] : memref<32xi32, #tpu.memory_space<smem>>
    %c0_i32 = arith.constant 0 : i32
    %c0_i32_1 = arith.constant 0 : i32
    %c0_i32_2 = arith.constant 0 : i32
    return %get3A_0, %c0_i32, %c0_i32_1 : i32, i32, i32
  }
  func.func @transform_2(%arg0: i32, %arg1: memref<32xi32, #tpu.memory_space<smem>>) -> (i32, i32, i32) {
    %get3A = arith.index_cast %arg0 : i32 to index
    %get3A_0 = memref.load %arg1[%get3A] : memref<32xi32, #tpu.memory_space<smem>>
    %c0_i32 = arith.constant 0 : i32
    %c0_i32_1 = arith.constant 0 : i32
    %c0_i32_2 = arith.constant 0 : i32
    return %get3A_0, %c0_i32, %c0_i32_1 : i32, i32, i32
  }
  func.func @transform_3(%arg0: i32, %arg1: memref<32xi32, #tpu.memory_space<smem>>) -> (i32, i32, i32) {
    %get3A = arith.index_cast %arg0 : i32 to index
    %get3A_0 = memref.load %arg1[%get3A] : memref<32xi32, #tpu.memory_space<smem>>
    %c0_i32 = arith.constant 0 : i32
    %c0_i32_1 = arith.constant 0 : i32
    %c0_i32_2 = arith.constant 0 : i32
    return %get3A_0, %c0_i32, %c0_i32_1 : i32, i32, i32
  }
  func.func @transform_4(%arg0: i32, %arg1: memref<32xi32, #tpu.memory_space<smem>>) -> (i32, i32, i32) {
    %get3A = arith.index_cast %arg0 : i32 to index
    %get3A_0 = memref.load %arg1[%get3A] : memref<32xi32, #tpu.memory_space<smem>>
    %c0_i32 = arith.constant 0 : i32
    %c0_i32_1 = arith.constant 0 : i32
    %c0_i32_2 = arith.constant 0 : i32
    return %get3A_0, %c0_i32, %c0_i32_1 : i32, i32, i32
  }
  func.func @transform_5(%arg0: i32, %arg1: memref<32xi32, #tpu.memory_space<smem>>) -> (i32, i32, i32) {
    %get3A = arith.index_cast %arg0 : i32 to index
    %get3A_0 = memref.load %arg1[%get3A] : memref<32xi32, #tpu.memory_space<smem>>
    %c0_i32 = arith.constant 0 : i32
    %c0_i32_1 = arith.constant 0 : i32
    %c0_i32_2 = arith.constant 0 : i32
    return %get3A_0, %c0_i32, %c0_i32_1 : i32, i32, i32
  }
  func.func @transform_6(%arg0: i32, %arg1: memref<32xi32, #tpu.memory_space<smem>>) -> (i32, i32, i32) {
    %get3A = arith.index_cast %arg0 : i32 to index
    %get3A_0 = memref.load %arg1[%get3A] : memref<32xi32, #tpu.memory_space<smem>>
    %c0_i32 = arith.constant 0 : i32
    %c0_i32_1 = arith.constant 0 : i32
    %c0_i32_2 = arith.constant 0 : i32
    return %get3A_0, %c0_i32, %c0_i32_1 : i32, i32, i32
  }
  func.func @transform_7(%arg0: i32, %arg1: memref<32xi32, #tpu.memory_space<smem>>) -> (i32, i32) {
    %c0_i32 = arith.constant 0 : i32
    %c0_i32_0 = arith.constant 0 : i32
    return %arg0, %c0_i32 : i32, i32
  }
}

module attributes {stable_mosaic.version = 14 : i64} {
  func.func @_sharedffn_body(%arg0: i32, %arg1: memref<512x1024xf32, #tpu.memory_space<vmem>>, %arg2: memref<512x1024xf32, #tpu.memory_space<vmem>>, %arg3: memref<512x1024xf32, #tpu.memory_space<vmem>>, %arg4: memref<1024x512xf32, #tpu.memory_space<vmem>>, %arg5: memref<1x512xf32, #tpu.memory_space<vmem>>, %arg6: memref<1x512xf32, #tpu.memory_space<vmem>>, %arg7: memref<1x1024xf32, #tpu.memory_space<vmem>>, %arg8: memref<512x1024xf32, #tpu.memory_space<vmem>>) attributes {dimension_semantics = [#tpu.dimension_semantics<arbitrary>], iteration_bounds = array<i64: 4>, scalar_prefetch = 0 : i64, scratch_operands = 0 : i64, tpu.core_type = #tpu.core_type<tc>, window_params = [{transform_indices = @transform_0, window_bounds = array<i64: 512, 1024>}, {pipeline_mode = #tpu.pipeline_mode<synchronous>, transform_indices = @transform_1, window_bounds = array<i64: 512, 1024>}, {pipeline_mode = #tpu.pipeline_mode<synchronous>, transform_indices = @transform_2, window_bounds = array<i64: 512, 1024>}, {pipeline_mode = #tpu.pipeline_mode<synchronous>, transform_indices = @transform_3, window_bounds = array<i64: 1024, 512>}, {pipeline_mode = #tpu.pipeline_mode<synchronous>, transform_indices = @transform_4, window_bounds = array<i64: 1, 512>}, {pipeline_mode = #tpu.pipeline_mode<synchronous>, transform_indices = @transform_5, window_bounds = array<i64: 1, 512>}, {pipeline_mode = #tpu.pipeline_mode<synchronous>, transform_indices = @transform_6, window_bounds = array<i64: 1, 1024>}, {transform_indices = @transform_7, window_bounds = array<i64: 512, 1024>}]} {
    %get3A = arith.constant 0 : index
    %get3A_0 = arith.constant 0 : index
    %get3A_1 = vector.load %arg1[%get3A, %get3A_0] : memref<512x1024xf32, #tpu.memory_space<vmem>>, vector<512x1024xf32>
    %get3A_2 = arith.constant 0 : index
    %get3A_3 = arith.constant 0 : index
    %get3A_4 = vector.load %arg2[%get3A_2, %get3A_3] : memref<512x1024xf32, #tpu.memory_space<vmem>>, vector<512x1024xf32>
    %dot_general3A = arith.constant dense<0.000000e+00> : vector<512x512xf32>
    %dot_general3A_5 = tpu.matmul %get3A_1, %get3A_4, %dot_general3A {dimension_numbers = #tpu.dot_dimension_numbers<[1], [1], [0], [0], [0, 0, 1, 0], [], []>, transpose_lhs_hint = false} : vector<512x1024xf32>, vector<512x1024xf32>, vector<512x512xf32> -> vector<512x512xf32>
    %get3A_6 = arith.constant 0 : index
    %get3A_7 = arith.constant 0 : index
    %get3A_8 = vector.load %arg5[%get3A_6, %get3A_7] : memref<1x512xf32, #tpu.memory_space<vmem>>, vector<1x512xf32>
    %add3A = vector.broadcast %get3A_8 : vector<1x512xf32> to vector<512x512xf32>
    %add3A_9 = arith.addf %dot_general3A_5, %add3A : vector<512x512xf32>
    %get3A_10 = arith.constant 0 : index
    %get3A_11 = arith.constant 0 : index
    %get3A_12 = vector.load %arg3[%get3A_10, %get3A_11] : memref<512x1024xf32, #tpu.memory_space<vmem>>, vector<512x1024xf32>
    %dot_general3A_13 = arith.constant dense<0.000000e+00> : vector<512x512xf32>
    %dot_general3A_14 = tpu.matmul %get3A_1, %get3A_12, %dot_general3A_13 {dimension_numbers = #tpu.dot_dimension_numbers<[1], [1], [0], [0], [0, 0, 1, 0], [], []>, transpose_lhs_hint = false} : vector<512x1024xf32>, vector<512x1024xf32>, vector<512x512xf32> -> vector<512x512xf32>
    %get3A_15 = arith.constant 0 : index
    %get3A_16 = arith.constant 0 : index
    %get3A_17 = vector.load %arg6[%get3A_15, %get3A_16] : memref<1x512xf32, #tpu.memory_space<vmem>>, vector<1x512xf32>
    %add3A_18 = vector.broadcast %get3A_17 : vector<1x512xf32> to vector<512x512xf32>
    %add3A_19 = arith.addf %dot_general3A_14, %add3A_18 : vector<512x512xf32>
    %mul3A = arith.mulf %add3A_9, %add3A_19 : vector<512x512xf32>
    %logistic3A = arith.negf %mul3A : vector<512x512xf32>
    %logistic3A_20 = math.exp %logistic3A : vector<512x512xf32>
    %logistic3A_21 = arith.constant 1.000000e+00 : f32
    %logistic3A_22 = vector.broadcast %logistic3A_21 : f32 to vector<512x512xf32>
    %logistic3A_23 = arith.addf %logistic3A_22, %logistic3A_20 : vector<512x512xf32>
    %logistic3A_24 = arith.divf %logistic3A_22, %logistic3A_23 : vector<512x512xf32>
    %mul3A_25 = arith.mulf %mul3A, %logistic3A_24 : vector<512x512xf32>
    %get3A_26 = arith.constant 0 : index
    %get3A_27 = arith.constant 0 : index
    %get3A_28 = vector.load %arg4[%get3A_26, %get3A_27] : memref<1024x512xf32, #tpu.memory_space<vmem>>, vector<1024x512xf32>
    %dot_general3A_29 = arith.constant dense<0.000000e+00> : vector<512x1024xf32>
    %dot_general3A_30 = tpu.matmul %mul3A_25, %get3A_28, %dot_general3A_29 {dimension_numbers = #tpu.dot_dimension_numbers<[1], [1], [0], [0], [0, 0, 1, 0], [], []>, transpose_lhs_hint = false} : vector<512x512xf32>, vector<1024x512xf32>, vector<512x1024xf32> -> vector<512x1024xf32>
    %get3A_31 = arith.constant 0 : index
    %get3A_32 = arith.constant 0 : index
    %get3A_33 = vector.load %arg7[%get3A_31, %get3A_32] : memref<1x1024xf32, #tpu.memory_space<vmem>>, vector<1x1024xf32>
    %add3A_34 = vector.broadcast %get3A_33 : vector<1x1024xf32> to vector<512x1024xf32>
    %add3A_35 = arith.addf %dot_general3A_30, %add3A_34 : vector<512x1024xf32>
    %swap3A = arith.constant 0 : index
    %swap3A_36 = arith.constant 0 : index
    %swap3A_37 = vector.load %arg8[%swap3A, %swap3A_36] : memref<512x1024xf32, #tpu.memory_space<vmem>>, vector<512x1024xf32>
    tpu.vector_store %arg8[%swap3A, %swap3A_36], %add3A_35 {strides = array<i32>} : memref<512x1024xf32, #tpu.memory_space<vmem>>, vector<512x1024xf32>,
    return
  }
  func.func @transform_0(%arg0: i32) -> (i32, i32) {
    %c0_i32 = arith.constant 0 : i32
    %c0_i32_0 = arith.constant 0 : i32
    return %arg0, %c0_i32 : i32, i32
  }
  func.func @transform_1(%arg0: i32) -> (i32, i32) {
    %c0_i32 = arith.constant 0 : i32
    %c0_i32_0 = arith.constant 0 : i32
    %c0_i32_1 = arith.constant 0 : i32
    return %c0_i32, %c0_i32_0 : i32, i32
  }
  func.func @transform_2(%arg0: i32) -> (i32, i32) {
    %c0_i32 = arith.constant 0 : i32
    %c0_i32_0 = arith.constant 0 : i32
    %c0_i32_1 = arith.constant 0 : i32
    return %c0_i32, %c0_i32_0 : i32, i32
  }
  func.func @transform_3(%arg0: i32) -> (i32, i32) {
    %c0_i32 = arith.constant 0 : i32
    %c0_i32_0 = arith.constant 0 : i32
    %c0_i32_1 = arith.constant 0 : i32
    return %c0_i32, %c0_i32_0 : i32, i32
  }
  func.func @transform_4(%arg0: i32) -> (i32, i32) {
    %c0_i32 = arith.constant 0 : i32
    %c0_i32_0 = arith.constant 0 : i32
    %c0_i32_1 = arith.constant 0 : i32
    return %c0_i32, %c0_i32_0 : i32, i32
  }
  func.func @transform_5(%arg0: i32) -> (i32, i32) {
    %c0_i32 = arith.constant 0 : i32
    %c0_i32_0 = arith.constant 0 : i32
    %c0_i32_1 = arith.constant 0 : i32
    return %c0_i32, %c0_i32_0 : i32, i32
  }
  func.func @transform_6(%arg0: i32) -> (i32, i32) {
    %c0_i32 = arith.constant 0 : i32
    %c0_i32_0 = arith.constant 0 : i32
    %c0_i32_1 = arith.constant 0 : i32
    return %c0_i32, %c0_i32_0 : i32, i32
  }
  func.func @transform_7(%arg0: i32) -> (i32, i32) {
    %c0_i32 = arith.constant 0 : i32
    %c0_i32_0 = arith.constant 0 : i32
    return %arg0, %c0_i32 : i32, i32
  }
}

module attributes {stable_mosaic.version = 14 : i64} {
  func.func @_combine_body(%arg0: i32, %arg1: memref<512x1024xf32, #tpu.memory_space<vmem>>, %arg2: memref<512x1024xf32, #tpu.memory_space<vmem>>, %arg3: memref<512x1024xf32, #tpu.memory_space<vmem>>, %arg4: memref<512x2xf32, #tpu.memory_space<vmem>>, %arg5: memref<512x1024xf32, #tpu.memory_space<vmem>>) attributes {dimension_semantics = [#tpu.dimension_semantics<arbitrary>], iteration_bounds = array<i64: 4>, scalar_prefetch = 0 : i64, scratch_operands = 0 : i64, tpu.core_type = #tpu.core_type<tc>, window_params = [{transform_indices = @transform_0, window_bounds = array<i64: 512, 1024>}, {transform_indices = @transform_1, window_bounds = array<i64: 512, 1024>}, {transform_indices = @transform_2, window_bounds = array<i64: 512, 1024>}, {transform_indices = @transform_3, window_bounds = array<i64: 512, 2>}, {transform_indices = @transform_4, window_bounds = array<i64: 512, 1024>}]} {
    %get3A = arith.constant 0 : index
    %get3A_0 = arith.constant 0 : index
    %get3A_1 = vector.load %arg4[%get3A, %get3A_0] : memref<512x2xf32, #tpu.memory_space<vmem>>, vector<512x2xf32>
    %get3A_2 = arith.constant 0 : index
    %get3A_3 = arith.constant 0 : index
    %get3A_4 = vector.load %arg1[%get3A_2, %get3A_3] : memref<512x1024xf32, #tpu.memory_space<vmem>>, vector<512x1024xf32>
    %slice3A = vector.extract_strided_slice %get3A_1 {offsets = [0, 0], sizes = [512, 1], strides = [1, 1]} : vector<512x2xf32> to vector<512x1xf32>
    %get3A_5 = arith.constant 0 : index
    %get3A_6 = arith.constant 0 : index
    %get3A_7 = vector.load %arg2[%get3A_5, %get3A_6] : memref<512x1024xf32, #tpu.memory_space<vmem>>, vector<512x1024xf32>
    %mul3A = vector.broadcast %slice3A : vector<512x1xf32> to vector<512x1024xf32>
    %mul3A_8 = arith.mulf %mul3A, %get3A_7 : vector<512x1024xf32>
    %add3A = arith.addf %get3A_4, %mul3A_8 : vector<512x1024xf32>
    %slice3A_9 = vector.extract_strided_slice %get3A_1 {offsets = [0, 1], sizes = [512, 1], strides = [1, 1]} : vector<512x2xf32> to vector<512x1xf32>
    %get3A_10 = arith.constant 0 : index
    %get3A_11 = arith.constant 0 : index
    %get3A_12 = vector.load %arg3[%get3A_10, %get3A_11] : memref<512x1024xf32, #tpu.memory_space<vmem>>, vector<512x1024xf32>
    %mul3A_13 = vector.broadcast %slice3A_9 : vector<512x1xf32> to vector<512x1024xf32>
    %mul3A_14 = arith.mulf %mul3A_13, %get3A_12 : vector<512x1024xf32>
    %add3A_15 = arith.addf %add3A, %mul3A_14 : vector<512x1024xf32>
    %swap3A = arith.constant 0 : index
    %swap3A_16 = arith.constant 0 : index
    %swap3A_17 = vector.load %arg5[%swap3A, %swap3A_16] : memref<512x1024xf32, #tpu.memory_space<vmem>>, vector<512x1024xf32>
    tpu.vector_store %arg5[%swap3A, %swap3A_16], %add3A_15 {strides = array<i32>} : memref<512x1024xf32, #tpu.memory_space<vmem>>, vector<512x1024xf32>,
    return
  }
  func.func @transform_0(%arg0: i32) -> (i32, i32) {
    %c0_i32 = arith.constant 0 : i32
    %c0_i32_0 = arith.constant 0 : i32
    return %arg0, %c0_i32 : i32, i32
  }
  func.func @transform_1(%arg0: i32) -> (i32, i32) {
    %c0_i32 = arith.constant 0 : i32
    %c0_i32_0 = arith.constant 0 : i32
    return %arg0, %c0_i32 : i32, i32
  }
  func.func @transform_2(%arg0: i32) -> (i32, i32) {
    %add3A = arith.constant 4 : i32
    %add3A_0 = arith.addi %arg0, %add3A : i32
    %c0_i32 = arith.constant 0 : i32
    %c0_i32_1 = arith.constant 0 : i32
    return %add3A_0, %c0_i32 : i32, i32
  }
  func.func @transform_3(%arg0: i32) -> (i32, i32) {
    %c0_i32 = arith.constant 0 : i32
    %c0_i32_0 = arith.constant 0 : i32
    return %arg0, %c0_i32 : i32, i32
  }
  func.func @transform_4(%arg0: i32) -> (i32, i32) {
    %c0_i32 = arith.constant 0 : i32
    %c0_i32_0 = arith.constant 0 : i32
    return %arg0, %c0_i32 : i32, i32
  }
}

</mosaic_0001>

<sc_bundles>
// kernel: kernel.11.cloned.1.call-start
scs
__scs_entry_jumppad:
0x0: {  	(pc) =	sbr.rel $0x88, $3  }
0x1: {  	(tag) =	ssettag $0x0;
	lr =	simm.s32 $0x1  }
0x2: {  	[smem:$0x3F92] =	sst lr;
	_ =	strace $0xD0000000  }
0x3: {  	_ = 	snop  }
0x4: {  	_ = 	snop  }
0x5: {  	_ = 	snop  }
0x6: {  	_ = 	snop  }
0x7: {  	_ = 	snop  }
__scs_overlays_trampoline_lowered:
0x8: {  	[smem:$0x3FA1] =	sst s0  }
0x9: {  	[smem:$0x3FA2] =	sst s1  }
0xa: {  	[smem:$0x3FA3] =	sst s2  }
0xb: {  	[smem:$0x3FA4] =	sst s3  }
0xc: {  	[smem:$0x3FA5] =	sst s4  }
0xd: {  	[smem:$0x3FA6] =	sst s5  }
0xe: {  	[smem:$0x3FA7] =	sst s6  }
0xf: {  	[smem:$0x3FA8] =	sst s7  }
0x10: {  	[smem:$0x3FA9] =	sst s8  }
0x11: {  	[smem:$0x3FAA] =	sst s9;
	s0 =	simm.s32 @!p0 $0x0  }
0x12: {  	s1 =	sld [smem:$0x3F90];
	s0 =	simm.s32 @p0 $0x1  }
0x13: {  	[smem:$0x3FAB] =	sst s0;
	s0 =	simm.s32 @!p1 $0x0  }
0x14: {  	s2 =	sld [smem:$0x3F8F];
	s0 =	simm.s32 @p1 $0x1  }
0x15: {  	[smem:$0x3FAC] =	sst s0;
	s0 =	simm.s32 @!p2 $0x0  }
0x16: {  	s3 =	sld [smem:$0x3FDB];
	s0 =	simm.s32 @p2 $0x1  }
0x17: {  	s4 =	simm.s32 $0x1BF5;
	[smem:$0x3FAE] =	sst s0  }
0x18: {  	s0 =	sld [smem:$0x3F91];
	_ =	swait.ge [sflag:s4], $0x0  }
0x19: {  	s7 =	sld [smem:$0x3F92]  }
0x1a: {  	s8 =	sadd.s32 $0xFFFFE003, lr  }
0x1b: {  	s9 =	sadd.s32 $0xFFFFFEF7, lr;
	s5 =	simm.s32 $0xFFFFFFFF;
	p2 =	slt.u32 s8, $0xFFFFF086  }
0x1c: {  	p1 =	slt.u32 s9, $0xF7A;
	s5 =	simm.s32 @!p2 $0x0  }
0x1d: {  	s5 =	simm.s32 @p1 $0x1;
	p0 =	seq.s32 s7, s2  }
0x1e: {  	s7 =	smul.u32 @!p0 $0xF7A, s2;
	p2 =	seq.s32 @!p0 s5, $0x0  }
0x1f: {  	s9 =	smul.u32 $0xF7A, s1;
	s8 =	simm.s32 @!p0 $0x1BF5;
	p2 =	por !p2, p0  }
0x20: {  	[sflag:s8] =	ssyncset.s32 @!p0 $0xFFFFF086;
	s6 =	sadd.s32 @!p0 s3, s7;
	s7 =	simm.s32 @!p0 $0x108  }
0x21: {  	s3 =	sadd.s32 s3, s9;
	s6 =	sadd.s32 @!p0 $0x88, s6;
	s7 =	simm.s32 @p2 $0x1082  }
0x22: {  	[simem:s7], [sflag:s8] =	dma.local @!p0 [hbm:s6], $0xF7A  }
0x23: {  	s9 =	sor.u32 $0xD0000000, s2;
	s6 =	simm.s32 $0x108;
	_ =	swait.ge @!p0 [sflag:s8], $0x0  }
0x24: {  	s3 =	sadd.s32 $0x88, s3;
	s6 =	simm.s32 @!p1 $0x1082;
	[sflag:s4] =	ssyncset.s32 $0xFFFFF086  }
0x25: {  	[simem:s6], [sflag:s4] =	dma.local [hbm:s3], $0xF7A  }
0x26: {  	[smem:$0x3F92] =	sst s1;
	(tag) =	ssettag s2;
	_ =	strace s9  }
0x27: {  	s1 =	sld [smem:$0x3FA2]  }
0x28: {  	s2 =	sld [smem:$0x3FA3]  }
0x29: {  	s4 =	sld [smem:$0x3FA5]  }
0x2a: {  	p0 =	seq.s32 s5, $0x0;
	s5 =	sld [smem:$0x3FA6]  }
0x2b: {  	s6 =	sld [smem:$0x3FA7]  }
0x2c: {  	s7 =	sld [smem:$0x3FA8]  }
0x2d: {  	s3 =	simm.s32 $0x108;
	s8 =	sld [smem:$0x3FA9]  }
0x2e: {  	s3 =	simm.s32 @!p0 $0x1082;
	s9 =	sld [smem:$0x3FAA]  }
0x2f: {  	lr =	sadd.s32 s0, s3;
	s0 =	sld [smem:$0x3FA1]  }
0x30: {  	s3 =	sld [smem:$0x3FA4]  }
0x31: {  	[smem:$0x3FAD] =	sst s10  }
0x32: {  	s10 =	sld [smem:$0x3FAB];
	_ =	sdelay $0x3  }
0x33: {  	p0 =	seq.s32 s10, $0x1;
	s10 =	sld [smem:$0x3FAD];
	_ =	sdelay $0x3  }
0x34: {  	[smem:$0x3FAD] =	sst s10  }
0x35: {  	s10 =	sld [smem:$0x3FAC];
	_ =	sdelay $0x3  }
0x36: {  	p1 =	seq.s32 s10, $0x1;
	s10 =	sld [smem:$0x3FAD];
	_ =	sdelay $0x3  }
0x37: {  	[smem:$0x3FAD] =	sst s10  }
0x38: {  	s10 =	sld [smem:$0x3FAE]  }
0x39: {  	_ = 	snop;
	(pc) =	sbr.ind lr, $3  }
0x3a: {  	_ = 	snop  }
0x3b: {  	_ = 	snop  }
0x3c: {  	p2 =	seq.s32 s10, $0x1;
	s10 =	sld [smem:$0x3FAD]  }
0x3d: {  	_ =	shalt  }
0x3e: {  	_ =	shalt  }
0x3f: {  	_ =	shalt  }
0x40: {  	_ =	shalt  }
0x41: {  	_ =	shalt  }
0x42: {  	_ =	shalt  }
0x43: {  	_ =	shalt  }
0x44: {  	_ =	shalt  }
0x45: {  	_ =	shalt  }
0x46: {  	_ =	shalt  }
0x47: {  	_ =	shalt  }
0x48: {  	_ =	shalt  }
0x49: {  	_ =	shalt  }
0x4a: {  	_ =	shalt  }
0x4b: {  	_ =	shalt  }
0x4c: {  	_ =	shalt  }
0x4d: {  	_ =	shalt  }
0x4e: {  	_ =	shalt  }
0x4f: {  	_ =	shalt  }
0x50: {  	_ =	shalt  }
0x51: {  	_ =	shalt  }
0x52: {  	_ =	shalt  }
0x53: {  	_ =	shalt  }
0x54: {  	_ =	shalt  }
0x55: {  	_ =	shalt  }
0x56: {  	_ =	shalt  }
0x57: {  	_ =	shalt  }
0x58: {  	_ =	shalt  }
0x59: {  	_ =	shalt  }
0x5a: {  	_ =	shalt  }
0x5b: {  	_ =	shalt  }
0x5c: {  	_ =	shalt  }
0x5d: {  	_ =	shalt  }
0x5e: {  	_ =	shalt  }
0x5f: {  	_ =	shalt  }
0x60: {  	_ =	shalt  }
0x61: {  	_ =	shalt  }
0x62: {  	_ =	shalt  }
0x63: {  	_ =	shalt  }
0x64: {  	_ =	shalt  }
0x65: {  	_ =	shalt  }
0x66: {  	_ =	shalt  }
0x67: {  	_ =	shalt  }
0x68: {  	_ =	shalt  }
0x69: {  	_ =	shalt  }
0x6a: {  	_ =	shalt  }
0x6b: {  	_ =	shalt  }
0x6c: {  	_ =	shalt  }
0x6d: {  	_ =	shalt  }
0x6e: {  	_ =	shalt  }
0x6f: {  	_ =	shalt  }
0x70: {  	_ =	shalt  }
0x71: {  	_ =	shalt  }
0x72: {  	_ =	shalt  }
0x73: {  	_ =	shalt  }
0x74: {  	_ =	shalt  }
0x75: {  	_ =	shalt  }
0x76: {  	_ =	shalt  }
0x77: {  	_ =	shalt  }
0x78: {  	_ =	shalt  }
0x79: {  	_ =	shalt  }
0x7a: {  	_ =	shalt  }
0x7b: {  	_ =	shalt  }
0x7c: {  	_ =	shalt  }
0x7d: {  	_ =	shalt  }
0x7e: {  	_ =	shalt  }
0x7f: {  	_ =	shalt  }
0x80: {  	_ =	shalt  }
0x81: {  	_ =	shalt  }
0x82: {  	_ =	shalt  }
0x83: {  	_ =	shalt  }
0x84: {  	_ =	shalt  }
0x85: {  	_ =	shalt  }
0x86: {  	_ =	shalt  }
0x87: {  	_ =	shalt  }
.Lfunc_end0:
.L_simem_size_0:
called_computation.1_lowered:
.L_overlay_start_0:
0x88: {  	s2 =	sld [smem:$0x3FD9]  }
0x89: {  	s3 =	sld [smem:$0x3FFE];
	_ =	sdelay $0x1  }
0x8a: {  	s1 =	srdreg.scid  }
0x8b: {  	s0 =	sand.u32 $0x1, s1  }
0x8c: {  	s17 =	sshll.u32 s0, $0xA;
	s2 =	sadd.s32 s3, s2  }
0x8d: {  	s2 =	sadd.s32 s2, s17  }
0x8e: {  	[smem:$0x3FB9] =	sst s2  }
0x8f: {  	_ = 	snop  }
0x90: {  	s2 =	sld [smem:$0x3FD0];
	(tm) =	ssettm $0x1  }
0x91: {  	s18 =	sld [smem:$0x3FFB];
	_ =	sdelay $0x3  }
0x92: {  	_ =	strace s18  }
0x93: {  	s3 =	sld [smem:$0x3FFC];
	_ =	sdelay $0x3  }
0x94: {  	_ =	strace s3  }
0x95: {  	s3 =	sld [smem:$0x3FFD];
	_ =	sdelay $0x3  }
0x96: {  	_ =	strace s3  }
0x97: {  	_ =	strace $0x8FFFFFFF  }
0x98: {  	s19 =	sld [smem:$0x3FDB];
	_ =	sdelay $0x1  }
0x99: {  	s4 =	simm.s32 $_scs_section_size  }
0x9a: {  	s5 =	simm.s32 $_size__tile_overlayer_lowered;
	s6 =	simm.s32 $_tile_overlayer_lowered  }
0x9b: {  	s22 =	simm.s32 $0x1BFF;
	s21 =	sshll.u32 s6, $0x1;
	s3 =	sadd.s32 s4, s19  }
0x9c: {  	s7 =	simm.s32 $0x0;
	s20 =	sshll.u32 s5, $0x1;
	s5 =	sadd.s32 s21, s3  }
0x9d: {  	[timem:s7], [sflag:s22] =	dma.local [hbm:s5], s20  }
0x9e: {  	_ =	swait.ge [sflag:s22], s20  }
0x9f: {  	s4 =	ssub.s32 $0x0, s20;
	[sflag:s22] =	ssyncset.done $0x0  }
0xa0: {  	[sflag:s22] =	ssyncadd.s32 s4;
	_ =	sdelay $0x1  }
0xa1: {  	s23 =	simm.s32 $0x1B8B  }
0xa2: {  	_ =	swait.ge [sflag:s23], $0x1  }
0xa3: {  	[sflag:s23] =	ssyncset.done $0x0  }
0xa4: {  	s25 =	simm.s32 $0x1B8E;
	s24 =	sld [smem:$0x3FFE];
	[sflag:s23] =	ssyncadd.s32 $0xFFFFFFFF  }
0xa5: {  	s26 =	simm.s32 $execute0_lowered;
	[smem:$0x3FD2] =	sst s25  }
0xa6: {  	s5 =	sshll.u32 s26, $0x1;
	_ =	strace $0x80000049;
	[dreg:$0x1] =	wrdreg $0xFFFFFFFF  }
0xa7: {  	s28 =	simm.s32 $_size_execute0_lowered;
	s3 =	sadd.s32 s3, s5;
	[dreg:$0x0] =	wrdreg $0x0  }
0xa8: {  	s5 =	sshll.u32 s28, $0x1;
	[dreg:$0x2] =	wrdreg s3  }
0xa9: {  	[dreg:$0x3] =	wrdreg s5  }
0xaa: {  	[dreg:$0x4] =	wrdreg $0xC0  }
0xab: {  	_ =	task [dreg:s7], $0x5FFFF  }
0xac: {  	[dreg:$0x1] =	wrdreg $0xFFFFFFFF  }
0xad: {  	[dreg:$0x0] =	wrdreg $0x60  }
0xae: {  	[dreg:$0x2] =	wrdreg s24  }
0xaf: {  	[dreg:$0x3] =	wrdreg s2  }
0xb0: {  	[dreg:$0x4] =	wrdreg $0x9  }
0xb1: {  	_ =	task.clear_ibuf [dreg:s7], $0x5FFFF;
	_ =	strace $0x90000049  }
0xb2: {  	s29 =	simm.s32 $0x9;
	_ =	strace $0x8000004B  }
0xb3: {  	_ =	swait.ge [sflag:s29], $0x1  }
0xb4: {  	[sflag:s29] =	ssyncadd.s32 $0xFFFFFFFF  }
0xb5: {  	_ =	strace $0x9000004B  }
0xb6: {  	_ =	sfence  }
0xb7: {  	s30 =	sld [smem:$0x0];
	_ =	sdelay $0x2  }
0xb8: {  	s31 =	sshll.u32 s1, $0xD;
	s1 =	sshrl.u32 s1, $0x2  }
0xb9: {  	s3 =	sand.u32 $0x4000, s31;
	s1 =	sadd.s32 s1, s30  }
0xba: {  	s0 =	sor.u32 s3, s0;
	s1 =	sshll.u32 s1, $0x11  }
0xbb: {  	s0 =	sor.u32 s1, s0  }
0xbc: {  	s0 =	sadd.s32 $0x8F2B, s0  }
0xbd: {  	[sflag:s0] =	ssyncadd.remote.s32 $0x1  }
0xbe: {  	_ =	sfence.sel $0xFFFF  }
0xbf: {  	[dreg:$0x0] =	wrdreg $0xFFFFFFFF;
	(pc) =	sbr.abs _section_cstart, $3  }
0xc0: {  	[dreg:$0x1] =	wrdreg $0xFFFFFFFF  }
0xc1: {  	_ =	task.clear_ibuf [dreg:s7], $0x2FFFF;
	_ =	strace $0x9FFFFFFF  }
0xc2: {  	(tm) =	ssettm $0x7FFFFFFF  }
0xc3: {  	_ =	shalt  }
tec
execute0_lowered:
.L_overlay_start_1:
0x0: {  	(tag) =	ssettag $0x1  }
0x1: {  	s0 =	rddreg [dreg:$0x0]  }
0x2: {  	s1 =	rddreg [dreg:$0x1];
	s3 =	srdreg.scid  }
0x3: {  	s2 =	simm.s32 $0x0;
	s5 =	stileid.u32;
	s18 =	simm.s32 $0x1  }
0x4: {  	s20 =	simm.s32 $0x880;
	s21 =	simm.s32 $0x1080;
	s28 =	simm.s32 $0x4080  }
0x5: {  	s29 =	simm.s32 $0x4880;
	s30 =	simm.s32 $0x5080;
	s31 =	simm.s32 $0x5880  }
0x6: {  	s10 =	simm.s32 $0x7080;
	s11 =	simm.s32 $0x7880;
	s12 =	simm.s32 $0x8080  }
0x7: {  	s13 =	simm.s32 $0x8880;
	s14 =	simm.s32 $0x9080;
	s15 =	simm.s32 $0x9880  }
0x8: {  	s16 =	simm.s32 $0xA080;
	s17 =	simm.s32 $0xA880;
	s9 =	simm.s32 $0xB080  }
0x9: {  	s4 =	sand.u32 $0x1, s3;
	[smem:$0x7FF] =	sst s2;
	s22 =	sshll.u32 s5, $0x8  }
0xa: {  	s3 =	sadd.s32 $0x101400, s0;
	s23 =	sshll.u32 s4, $0x7;
	s4 =	ssub.s32 $0x2, s4  }
0xb: {  	_ =	strace $0x8000004A;
	s5 =	sor.u32 s23, s22;
	s24 =	sshrl.u32 s4, $0x1  }
0xc: {  	s22 =	simm.s32 $0x1880;
	s23 =	simm.s32 $0x2080;
	s6 =	sshll.u32 s5, $0x7  }
0xd: {  	s5 =	sshrl.u32 s5, $0x3;
	s8 =	ssub.s32 s4, s24;
	s4 =	sadd.s32 $0x101500, s0  }
0xe: {  	s24 =	simm.s32 $0x2880;
	s7 =	sadd.s32 s6, s0;
	s1 =	sadd.s32 s1, s5  }
0xf: {  	s5 =	sadd.s32 $0x101600, s0;
	s6 =	sadd.s32 $0x101700, s0;
	s0 =	simm.s32 $0x80  }
0x10: {  	v2 =	vlaneseq.u32;
	[dreg:$0x3] =	wrdreg s1;
	s25 =	sadd.s32 $0x1400, s7;
	s26 =	sadd.s32 $0x3400, s7  }
0x11: {  	vm0 =	vmmov $0xffff;
	v1 =	vshrl.u32 v2, $0x3;
	s7 =	smax.u32 s8, $0x1;
	s8 =	simm.s32 $0x2;
	[dreg:$0x4] =	wrdreg s25  }
0x12: {  	v0 =	vand.u32 $0x7, v2;
	v2 =	vor.u32 $0x8, v2;
	v1 =	vmul.u32 $0x8, v1;
	[dreg:$0x5] =	wrdreg s26;
	s25 =	simm.s32 $0x3080;
	s26 =	simm.s32 $0x3880  }
.LBB2_1:
0x13: {  	s19 =	rddreg [dreg:$0x3]  }
0x14: {  	[tilespmem:s2], [sflag:$0x2] =	stream.linear.gather [hbm4b:s19+s2], $0x80, $0x38;
	[tilespmem:$0x10080] =	vst v63  }
0x15: {  	_ =	swait.ge [sflag:s8], $0x80  }
0x16: {  	[sflag:s8] =	ssyncset.done $0x0  }
0x17: {  	[sflag:s8] =	ssyncadd.s32 $0xFFFFFF80  }
0x18: {  	v3 =	vld [tilespmem:$0x0];
	_ =	sdelay $0x4  }
0x19: {  	v4 =	vshll.u32 v3, $0x3  }
0x1a: {  	v3 =	vand.u32 $0x7, v3;
	v4 =	vand.u32 $0xFFFFFFC0, v4  }
0x1b: {  	v3 =	vor.u32 v3, v4  }
0x1c: {  	v4 =	vperm.xlane v3, v0;
	_ =	sdelay $0x1  }
0x1d: {  	v4 =	vadd.s32 v1, v4;
	_ =	sdelay $0x4  }
0x1e: {  	[tilespmem:s0], [sflag:$0x1] =	stream.indirect_vreg.gather [hbm4b:s3+s2], $0x80, v4, vm0, $0xb8;
	[tilespmem:$0x10080] =	vst v63  }
0x1f: {  	v3 =	vperm.xlane v3, v2  }
0x20: {  	[tilespmem:s20], [sflag:$0x1] =	stream.indirect_vreg.gather [hbm4b:s4+s2], $0x80, v4, vm0, $0xb8;
	[tilespmem:$0x10080] =	vst v63  }
0x21: {  	v3 =	vadd.s32 v1, v3  }
0x22: {  	[tilespmem:s21], [sflag:$0x1] =	stream.indirect_vreg.gather [hbm4b:s5+s2], $0x80, v4, vm0, $0xb8;
	[tilespmem:$0x10080] =	vst v63  }
0x23: {  	_ = 	snop  }
0x24: {  	[tilespmem:s22], [sflag:$0x1] =	stream.indirect_vreg.gather [hbm4b:s6+s2], $0x80, v4, vm0, $0xb8;
	[tilespmem:$0x10080] =	vst v63  }
0x25: {  	_ = 	snop  }
0x26: {  	[tilespmem:s23], [sflag:$0x1] =	stream.indirect_vreg.gather [hbm4b:s3+s2], $0x80, v3, vm0, $0xb8;
	[tilespmem:$0x10080] =	vst v63  }
0x27: {  	_ = 	snop  }
0x28: {  	[tilespmem:s24], [sflag:$0x1] =	stream.indirect_vreg.gather [hbm4b:s4+s2], $0x80, v3, vm0, $0xb8;
	[tilespmem:$0x10080] =	vst v63  }
0x29: {  	_ = 	snop  }
0x2a: {  	[tilespmem:s25], [sflag:$0x1] =	stream.indirect_vreg.gather [hbm4b:s5+s2], $0x80, v3, vm0, $0xb8;
	[tilespmem:$0x10080] =	vst v63  }
0x2b: {  	_ = 	snop  }
0x2c: {  	[tilespmem:s26], [sflag:$0x1] =	stream.indirect_vreg.gather [hbm4b:s6+s2], $0x80, v3, vm0, $0xb8;
	[tilespmem:$0x10080] =	vst v63  }
0x2d: {  	v3 =	vld [tilespmem:$0x10];
	_ =	sdelay $0x4  }
0x2e: {  	v57 =	vshll.u32 v3, $0x3  }
0x2f: {  	v3 =	vand.u32 $0x7, v3;
	v4 =	vand.u32 $0xFFFFFFC0, v57  }
0x30: {  	v3 =	vor.u32 v3, v4  }
0x31: {  	v4 =	vperm.xlane v3, v0;
	_ =	sdelay $0x1  }
0x32: {  	v4 =	vadd.s32 v1, v4;
	_ =	sdelay $0x4  }
0x33: {  	[tilespmem:s28], [sflag:$0x1] =	stream.indirect_vreg.gather [hbm4b:s3+s2], $0x80, v4, vm0, $0xb8;
	[tilespmem:$0x10080] =	vst v63  }
0x34: {  	v3 =	vperm.xlane v3, v2  }
0x35: {  	[tilespmem:s29], [sflag:$0x1] =	stream.indirect_vreg.gather [hbm4b:s4+s2], $0x80, v4, vm0, $0xb8;
	[tilespmem:$0x10080] =	vst v63  }
0x36: {  	v3 =	vadd.s32 v1, v3  }
0x37: {  	[tilespmem:s30], [sflag:$0x1] =	stream.indirect_vreg.gather [hbm4b:s5+s2], $0x80, v4, vm0, $0xb8;
	[tilespmem:$0x10080] =	vst v63  }
0x38: {  	_ = 	snop  }
0x39: {  	[tilespmem:s31], [sflag:$0x1] =	stream.indirect_vreg.gather [hbm4b:s6+s2], $0x80, v4, vm0, $0xb8;
	[tilespmem:$0x10080] =	vst v63  }
0x3a: {  	s1 =	simm.s32 $0x6080  }
0x3b: {  	[tilespmem:s1], [sflag:$0x1] =	stream.indirect_vreg.gather [hbm4b:s3+s2], $0x80, v3, vm0, $0xb8;
	[tilespmem:$0x10080] =	vst v63  }
0x3c: {  	s1 =	simm.s32 $0x6880  }
0x3d: {  	[tilespmem:s1], [sflag:$0x1] =	stream.indirect_vreg.gather [hbm4b:s4+s2], $0x80, v3, vm0, $0xb8;
	[tilespmem:$0x10080] =	vst v63  }
0x3e: {  	_ = 	snop  }
0x3f: {  	[tilespmem:s10], [sflag:$0x1] =	stream.indirect_vreg.gather [hbm4b:s5+s2], $0x80, v3, vm0, $0xb8;
	[tilespmem:$0x10080] =	vst v63  }
0x40: {  	_ = 	snop  }
0x41: {  	[tilespmem:s11], [sflag:$0x1] =	stream.indirect_vreg.gather [hbm4b:s6+s2], $0x80, v3, vm0, $0xb8;
	[tilespmem:$0x10080] =	vst v63  }
0x42: {  	v3 =	vld [tilespmem:$0x20];
	_ =	sdelay $0x4  }
0x43: {  	v58 =	vshll.u32 v3, $0x3  }
0x44: {  	v3 =	vand.u32 $0x7, v3;
	v4 =	vand.u32 $0xFFFFFFC0, v58  }
0x45: {  	v3 =	vor.u32 v3, v4  }
0x46: {  	v4 =	vperm.xlane v3, v0;
	_ =	sdelay $0x1  }
0x47: {  	v4 =	vadd.s32 v1, v4;
	_ =	sdelay $0x4  }
0x48: {  	[tilespmem:s12], [sflag:$0x1] =	stream.indirect_vreg.gather [hbm4b:s3+s2], $0x80, v4, vm0, $0xb8;
	[tilespmem:$0x10080] =	vst v63  }
0x49: {  	v3 =	vperm.xlane v3, v2  }
0x4a: {  	[tilespmem:s13], [sflag:$0x1] =	stream.indirect_vreg.gather [hbm4b:s4+s2], $0x80, v4, vm0, $0xb8;
	[tilespmem:$0x10080] =	vst v63  }
0x4b: {  	v3 =	vadd.s32 v1, v3  }
0x4c: {  	[tilespmem:s14], [sflag:$0x1] =	stream.indirect_vreg.gather [hbm4b:s5+s2], $0x80, v4, vm0, $0xb8;
	[tilespmem:$0x10080] =	vst v63  }
0x4d: {  	_ = 	snop  }
0x4e: {  	[tilespmem:s15], [sflag:$0x1] =	stream.indirect_vreg.gather [hbm4b:s6+s2], $0x80, v4, vm0, $0xb8;
	[tilespmem:$0x10080] =	vst v63  }
0x4f: {  	_ = 	snop  }
0x50: {  	[tilespmem:s16], [sflag:$0x1] =	stream.indirect_vreg.gather [hbm4b:s3+s2], $0x80, v3, vm0, $0xb8;
	[tilespmem:$0x10080] =	vst v63  }
0x51: {  	_ = 	snop  }
0x52: {  	[tilespmem:s17], [sflag:$0x1] =	stream.indirect_vreg.gather [hbm4b:s4+s2], $0x80, v3, vm0, $0xb8;
	[tilespmem:$0x10080] =	vst v63  }
0x53: {  	_ = 	snop  }
0x54: {  	[tilespmem:s9], [sflag:$0x1] =	stream.indirect_vreg.gather [hbm4b:s5+s2], $0x80, v3, vm0, $0xb8;
	[tilespmem:$0x10080] =	vst v63  }
0x55: {  	s19 =	simm.s32 $0xB880  }
0x56: {  	[tilespmem:s19], [sflag:$0x1] =	stream.indirect_vreg.gather [hbm4b:s6+s2], $0x80, v3, vm0, $0xb8;
	[tilespmem:$0x10080] =	vst v63  }
0x57: {  	v3 =	vld [tilespmem:$0x30];
	_ =	sdelay $0x4  }
0x58: {  	v59 =	vshll.u32 v3, $0x3  }
0x59: {  	v3 =	vand.u32 $0x7, v3;
	v4 =	vand.u32 $0xFFFFFFC0, v59  }
0x5a: {  	v3 =	vor.u32 v3, v4  }
0x5b: {  	v4 =	vperm.xlane v3, v0;
	_ =	sdelay $0x1  }
0x5c: {  	v4 =	vadd.s32 v1, v4;
	_ =	sdelay $0x3  }
0x5d: {  	s19 =	simm.s32 $0xC080  }
0x5e: {  	[tilespmem:s19], [sflag:$0x1] =	stream.indirect_vreg.gather [hbm4b:s3+s2], $0x80, v4, vm0, $0xb8;
	[tilespmem:$0x10080] =	vst v63  }
0x5f: {  	v3 =	vperm.xlane v3, v2;
	s19 =	simm.s32 $0xC880  }
0x60: {  	[tilespmem:s19], [sflag:$0x1] =	stream.indirect_vreg.gather [hbm4b:s4+s2], $0x80, v4, vm0, $0xb8;
	[tilespmem:$0x10080] =	vst v63  }
0x61: {  	v3 =	vadd.s32 v1, v3;
	s19 =	simm.s32 $0xD080  }
0x62: {  	[tilespmem:s19], [sflag:$0x1] =	stream.indirect_vreg.gather [hbm4b:s5+s2], $0x80, v4, vm0, $0xb8;
	[tilespmem:$0x10080] =	vst v63  }
0x63: {  	s19 =	simm.s32 $0xD880  }
0x64: {  	[tilespmem:s19], [sflag:$0x1] =	stream.indirect_vreg.gather [hbm4b:s6+s2], $0x80, v4, vm0, $0xb8;
	[tilespmem:$0x10080] =	vst v63  }
0x65: {  	s19 =	simm.s32 $0xE080  }
0x66: {  	[tilespmem:s19], [sflag:$0x1] =	stream.indirect_vreg.gather [hbm4b:s3+s2], $0x80, v3, vm0, $0xb8;
	[tilespmem:$0x10080] =	vst v63  }
0x67: {  	s19 =	simm.s32 $0xE880  }
0x68: {  	[tilespmem:s19], [sflag:$0x1] =	stream.indirect_vreg.gather [hbm4b:s4+s2], $0x80, v3, vm0, $0xb8;
	[tilespmem:$0x10080] =	vst v63  }
0x69: {  	s19 =	simm.s32 $0xF080  }
0x6a: {  	[tilespmem:s19], [sflag:$0x1] =	stream.indirect_vreg.gather [hbm4b:s5+s2], $0x80, v3, vm0, $0xb8;
	[tilespmem:$0x10080] =	vst v63  }
0x6b: {  	s19 =	simm.s32 $0xF880  }
0x6c: {  	[tilespmem:s19], [sflag:$0x1] =	stream.indirect_vreg.gather [hbm4b:s6+s2], $0x80, v3, vm0, $0xb8;
	[tilespmem:$0x10080] =	vst v63  }
0x6d: {  	_ =	swait.ge [sflag:s18], $0x10000  }
0x6e: {  	[sflag:s18] =	ssyncset.done $0x0  }
0x6f: {  	s19 =	rddreg [dreg:$0x4];
	[sflag:s18] =	ssyncadd.s32 $0xFFFF0000  }
0x70: {  	[hbm4b:s19+s2] =	stream.linear.scatter [tilespmem:s0], [sflag:$0x2], $0x10000, $0x38;
	[tilespmem:$0x10080] =	vst v63  }
0x71: {  	_ =	swait.ge [sflag:s8], $0x10000  }
0x72: {  	[sflag:s8] =	ssyncset.done $0x0  }
0x73: {  	[sflag:s8] =	ssyncadd.s32 $0xFFFF0000  }
0x74: {  	v3 =	vld [tilespmem:$0x40];
	_ =	sdelay $0x4  }
0x75: {  	v60 =	vshll.u32 v3, $0x3  }
0x76: {  	v3 =	vand.u32 $0x7, v3;
	v4 =	vand.u32 $0xFFFFFFC0, v60  }
0x77: {  	v3 =	vor.u32 v3, v4  }
0x78: {  	v4 =	vperm.xlane v3, v0;
	_ =	sdelay $0x1  }
0x79: {  	v4 =	vadd.s32 v1, v4;
	_ =	sdelay $0x4  }
0x7a: {  	[tilespmem:s0], [sflag:$0x1] =	stream.indirect_vreg.gather [hbm4b:s3+s2], $0x80, v4, vm0, $0xb8;
	[tilespmem:$0x10080] =	vst v63  }
0x7b: {  	v3 =	vperm.xlane v3, v2  }
0x7c: {  	[tilespmem:s20], [sflag:$0x1] =	stream.indirect_vreg.gather [hbm4b:s4+s2], $0x80, v4, vm0, $0xb8;
	[tilespmem:$0x10080] =	vst v63  }
0x7d: {  	v3 =	vadd.s32 v1, v3  }
0x7e: {  	[tilespmem:s21], [sflag:$0x1] =	stream.indirect_vreg.gather [hbm4b:s5+s2], $0x80, v4, vm0, $0xb8;
	[tilespmem:$0x10080] =	vst v63  }
0x7f: {  	_ = 	snop  }
0x80: {  	[tilespmem:s22], [sflag:$0x1] =	stream.indirect_vreg.gather [hbm4b:s6+s2], $0x80, v4, vm0, $0xb8;
	[tilespmem:$0x10080] =	vst v63  }
0x81: {  	_ = 	snop  }
0x82: {  	[tilespmem:s23], [sflag:$0x1] =	stream.indirect_vreg.gather [hbm4b:s3+s2], $0x80, v3, vm0, $0xb8;
	[tilespmem:$0x10080] =	vst v63  }
0x83: {  	_ = 	snop  }
0x84: {  	[tilespmem:s24], [sflag:$0x1] =	stream.indirect_vreg.gather [hbm4b:s4+s2], $0x80, v3, vm0, $0xb8;
	[tilespmem:$0x10080] =	vst v63  }
0x85: {  	_ = 	snop  }
0x86: {  	[tilespmem:s25], [sflag:$0x1] =	stream.indirect_vreg.gather [hbm4b:s5+s2], $0x80, v3, vm0, $0xb8;
	[tilespmem:$0x10080] =	vst v63  }
0x87: {  	_ = 	snop  }
0x88: {  	[tilespmem:s26], [sflag:$0x1] =	stream.indirect_vreg.gather [hbm4b:s6+s2], $0x80, v3, vm0, $0xb8;
	[tilespmem:$0x10080] =	vst v63  }
0x89: {  	v3 =	vld [tilespmem:$0x50];
	_ =	sdelay $0x4  }
0x8a: {  	v61 =	vshll.u32 v3, $0x3  }
0x8b: {  	v3 =	vand.u32 $0x7, v3;
	v4 =	vand.u32 $0xFFFFFFC0, v61  }
0x8c: {  	v3 =	vor.u32 v3, v4  }
0x8d: {  	v4 =	vperm.xlane v3, v0;
	_ =	sdelay $0x1  }
0x8e: {  	v4 =	vadd.s32 v1, v4;
	_ =	sdelay $0x4  }
0x8f: {  	[tilespmem:s28], [sflag:$0x1] =	stream.indirect_vreg.gather [hbm4b:s3+s2], $0x80, v4, vm0, $0xb8;
	[tilespmem:$0x10080] =	vst v63  }
0x90: {  	v3 =	vperm.xlane v3, v2  }
0x91: {  	[tilespmem:s29], [sflag:$0x1] =	stream.indirect_vreg.gather [hbm4b:s4+s2], $0x80, v4, vm0, $0xb8;
	[tilespmem:$0x10080] =	vst v63  }
0x92: {  	v3 =	vadd.s32 v1, v3  }
0x93: {  	[tilespmem:s30], [sflag:$0x1] =	stream.indirect_vreg.gather [hbm4b:s5+s2], $0x80, v4, vm0, $0xb8;
	[tilespmem:$0x10080] =	vst v63  }
0x94: {  	_ = 	snop  }
0x95: {  	[tilespmem:s31], [sflag:$0x1] =	stream.indirect_vreg.gather [hbm4b:s6+s2], $0x80, v4, vm0, $0xb8;
	[tilespmem:$0x10080] =	vst v63  }
0x96: {  	s19 =	simm.s32 $0x6080  }
0x97: {  	[tilespmem:s19], [sflag:$0x1] =	stream.indirect_vreg.gather [hbm4b:s3+s2], $0x80, v3, vm0, $0xb8;
	[tilespmem:$0x10080] =	vst v63  }
0x98: {  	_ = 	snop  }
0x99: {  	[tilespmem:s1], [sflag:$0x1] =	stream.indirect_vreg.gather [hbm4b:s4+s2], $0x80, v3, vm0, $0xb8;
	[tilespmem:$0x10080] =	vst v63  }
0x9a: {  	_ = 	snop  }
0x9b: {  	[tilespmem:s10], [sflag:$0x1] =	stream.indirect_vreg.gather [hbm4b:s5+s2], $0x80, v3, vm0, $0xb8;
	[tilespmem:$0x10080] =	vst v63  }
0x9c: {  	_ = 	snop  }
0x9d: {  	[tilespmem:s11], [sflag:$0x1] =	stream.indirect_vreg.gather [hbm4b:s6+s2], $0x80, v3, vm0, $0xb8;
	[tilespmem:$0x10080] =	vst v63  }
0x9e: {  	v3 =	vld [tilespmem:$0x60];
	_ =	sdelay $0x4  }
0x9f: {  	v62 =	vshll.u32 v3, $0x3  }
0xa0: {  	v3 =	vand.u32 $0x7, v3;
	v4 =	vand.u32 $0xFFFFFFC0, v62  }
0xa1: {  	v3 =	vor.u32 v3, v4  }
0xa2: {  	v4 =	vperm.xlane v3, v0;
	_ =	sdelay $0x1  }
0xa3: {  	v4 =	vadd.s32 v1, v4;
	_ =	sdelay $0x4  }
0xa4: {  	[tilespmem:s12], [sflag:$0x1] =	stream.indirect_vreg.gather [hbm4b:s3+s2], $0x80, v4, vm0, $0xb8;
	[tilespmem:$0x10080] =	vst v63  }
0xa5: {  	v3 =	vperm.xlane v3, v2  }
0xa6: {  	[tilespmem:s13], [sflag:$0x1] =	stream.indirect_vreg.gather [hbm4b:s4+s2], $0x80, v4, vm0, $0xb8;
	[tilespmem:$0x10080] =	vst v63  }
0xa7: {  	v3 =	vadd.s32 v1, v3  }
0xa8: {  	[tilespmem:s14], [sflag:$0x1] =	stream.indirect_vreg.gather [hbm4b:s5+s2], $0x80, v4, vm0, $0xb8;
	[tilespmem:$0x10080] =	vst v63  }
0xa9: {  	_ = 	snop  }
0xaa: {  	[tilespmem:s15], [sflag:$0x1] =	stream.indirect_vreg.gather [hbm4b:s6+s2], $0x80, v4, vm0, $0xb8;
	[tilespmem:$0x10080] =	vst v63  }
0xab: {  	_ = 	snop  }
0xac: {  	[tilespmem:s16], [sflag:$0x1] =	stream.indirect_vreg.gather [hbm4b:s3+s2], $0x80, v3, vm0, $0xb8;
	[tilespmem:$0x10080] =	vst v63  }
0xad: {  	_ = 	snop  }
0xae: {  	[tilespmem:s17], [sflag:$0x1] =	stream.indirect_vreg.gather [hbm4b:s4+s2], $0x80, v3, vm0, $0xb8;
	[tilespmem:$0x10080] =	vst v63  }
0xaf: {  	_ = 	snop  }
0xb0: {  	[tilespmem:s9], [sflag:$0x1] =	stream.indirect_vreg.gather [hbm4b:s5+s2], $0x80, v3, vm0, $0xb8;
	[tilespmem:$0x10080] =	vst v63  }
0xb1: {  	s19 =	simm.s32 $0xB880  }
0xb2: {  	[tilespmem:s19], [sflag:$0x1] =	stream.indirect_vreg.gather [hbm4b:s6+s2], $0x80, v3, vm0, $0xb8;
	[tilespmem:$0x10080] =	vst v63  }
0xb3: {  	v3 =	vld [tilespmem:$0x70];
	_ =	sdelay $0x4  }
0xb4: {  	v63 =	vshll.u32 v3, $0x3  }
0xb5: {  	v3 =	vand.u32 $0x7, v3;
	v4 =	vand.u32 $0xFFFFFFC0, v63  }
0xb6: {  	v3 =	vor.u32 v3, v4  }
0xb7: {  	v4 =	vperm.xlane v3, v0;
	_ =	sdelay $0x1  }
0xb8: {  	v4 =	vadd.s32 v1, v4;
	_ =	sdelay $0x3  }
0xb9: {  	s19 =	simm.s32 $0xC080  }
0xba: {  	[tilespmem:s19], [sflag:$0x1] =	stream.indirect_vreg.gather [hbm4b:s3+s2], $0x80, v4, vm0, $0xb8;
	[tilespmem:$0x10080] =	vst v63  }
0xbb: {  	v3 =	vperm.xlane v3, v2;
	s19 =	simm.s32 $0xC880  }
0xbc: {  	[tilespmem:s19], [sflag:$0x1] =	stream.indirect_vreg.gather [hbm4b:s4+s2], $0x80, v4, vm0, $0xb8;
	[tilespmem:$0x10080] =	vst v63  }
0xbd: {  	v3 =	vadd.s32 v1, v3;
	s19 =	simm.s32 $0xD080  }
0xbe: {  	[tilespmem:s19], [sflag:$0x1] =	stream.indirect_vreg.gather [hbm4b:s5+s2], $0x80, v4, vm0, $0xb8;
	[tilespmem:$0x10080] =	vst v63  }
0xbf: {  	s19 =	simm.s32 $0xD880  }
0xc0: {  	[tilespmem:s19], [sflag:$0x1] =	stream.indirect_vreg.gather [hbm4b:s6+s2], $0x80, v4, vm0, $0xb8;
	[tilespmem:$0x10080] =	vst v63  }
0xc1: {  	s19 =	simm.s32 $0xE080  }
0xc2: {  	[tilespmem:s19], [sflag:$0x1] =	stream.indirect_vreg.gather [hbm4b:s3+s2], $0x80, v3, vm0, $0xb8;
	[tilespmem:$0x10080] =	vst v63  }
0xc3: {  	s19 =	simm.s32 $0xE880  }
0xc4: {  	[tilespmem:s19], [sflag:$0x1] =	stream.indirect_vreg.gather [hbm4b:s4+s2], $0x80, v3, vm0, $0xb8;
	[tilespmem:$0x10080] =	vst v63  }
0xc5: {  	s19 =	simm.s32 $0xF080  }
0xc6: {  	[tilespmem:s19], [sflag:$0x1] =	stream.indirect_vreg.gather [hbm4b:s5+s2], $0x80, v3, vm0, $0xb8;
	[tilespmem:$0x10080] =	vst v63  }
0xc7: {  	s19 =	simm.s32 $0xF880  }
0xc8: {  	[tilespmem:s19], [sflag:$0x1] =	stream.indirect_vreg.gather [hbm4b:s6+s2], $0x80, v3, vm0, $0xb8;
	[tilespmem:$0x10080] =	vst v63  }
0xc9: {  	_ =	swait.ge [sflag:s18], $0x10000  }
0xca: {  	p0 =	sne.s32 s7, $0x1;
	[sflag:s18] =	ssyncset.done $0x0  }
.Ltmp0:
0xcb: {  	s1 =	rddreg [dreg:$0x5];
	[sflag:s18] =	ssyncadd.s32 $0xFFFF0000;
	(pc) =	sbr.rel @p0 .LBB2_1-.Ltmp0, $4  }
0xcc: {  	[hbm4b:s1+s2] =	stream.linear.scatter [tilespmem:s0], [sflag:$0x2], $0x10000, $0x38;
	[tilespmem:$0x10080] =	vst v63  }
0xcd: {  	_ =	swait.ge [sflag:s8], $0x10000  }
0xce: {  	[sflag:s8] =	ssyncset.done $0x0  }
0xcf: {  	s7 =	sadd.s32 $0xFFFFFFFF, s7;
	[sflag:s8] =	ssyncadd.s32 $0xFFFF0000  }
0xd0: {  	_ =	sfence.sel $0x180000  }
0xd1: {  	[bflag:$0x0] =	sbarrier.arrive $0xFFFF  }
0xd2: {  	_ =	strace $0x9000004A  }
0xd3: {  	s0 =	stileid.u32;
	[bflag:$0x2] =	sbarrier.arrive $0xFFFF  }
0xd4: {  	p0 =	sne.s32 s0, $0x0;
	s0 =	rddreg [dreg:$0x2]  }
0xd5: {  	s0 =	sadd.s32 @!p0 $0x100000, s0  }
0xd6: {  	[sflag:s0] =	ssyncadd.tile.s32 @!p0 $0x1;
	_ =	shalt  }
.Lfunc_end2:
_tile_overlayer_lowered:
.L_overlay_start_2:
0xd7: {  	(tag) =	ssettag $0x2  }
0xd8: {  	s0 =	rddreg [dreg:$0x0];
	s2 =	stileid.u32  }
0xd9: {  	s1 =	rddreg [dreg:$0x1];
	p0 =	sne.s32 s2, $0x0  }
0xda: {  	s3 =	rddreg [dreg:$0x2];
	[bflag:$0x3] =	sbarrier.arrive $0xFFFF;
	s2 =	simm.s32 @!p0 $0x1C02  }
0xdb: {  	[timem:s3], [sflag:s2] =	dma.local @!p0 [hbm:s0], s1  }
0xdc: {  	s0 =	simm.s32 @!p0 $0x2  }
0xdd: {  	_ =	swait.ge @!p0 [sflag:s0], s1  }
0xde: {  	s1 =	ssub.s32 @!p0 $0x0, s1;
	[sflag:s0] =	ssyncset.done @!p0 $0x0  }
0xdf: {  	[sflag:s0] =	ssyncadd.s32 @!p0 s1  }
0xe0: {  	[bflag:$0x3] =	sbarrier.arrive $0xFFFF  }
0xe1: {  	_ =	shalt  }

// kernel: kernel.8.cloned.1.call-start
scs
__scs_entry_jumppad:
0x0: {  	(pc) =	sbr.rel $0x88, $3  }
0x1: {  	(tag) =	ssettag $0x0;
	lr =	simm.s32 $0x1  }
0x2: {  	[smem:$0x3F92] =	sst lr;
	_ =	strace $0xD0000000  }
0x3: {  	_ = 	snop  }
0x4: {  	_ = 	snop  }
0x5: {  	_ = 	snop  }
0x6: {  	_ = 	snop  }
0x7: {  	_ = 	snop  }
__scs_overlays_trampoline_lowered:
0x8: {  	[smem:$0x3FA1] =	sst s0  }
0x9: {  	[smem:$0x3FA2] =	sst s1  }
0xa: {  	[smem:$0x3FA3] =	sst s2  }
0xb: {  	[smem:$0x3FA4] =	sst s3  }
0xc: {  	[smem:$0x3FA5] =	sst s4  }
0xd: {  	[smem:$0x3FA6] =	sst s5  }
0xe: {  	[smem:$0x3FA7] =	sst s6  }
0xf: {  	[smem:$0x3FA8] =	sst s7  }
0x10: {  	[smem:$0x3FA9] =	sst s8  }
0x11: {  	[smem:$0x3FAA] =	sst s9;
	s0 =	simm.s32 @!p0 $0x0  }
0x12: {  	s1 =	sld [smem:$0x3F90];
	s0 =	simm.s32 @p0 $0x1  }
0x13: {  	[smem:$0x3FAB] =	sst s0;
	s0 =	simm.s32 @!p1 $0x0  }
0x14: {  	s2 =	sld [smem:$0x3F8F];
	s0 =	simm.s32 @p1 $0x1  }
0x15: {  	[smem:$0x3FAC] =	sst s0;
	s0 =	simm.s32 @!p2 $0x0  }
0x16: {  	s3 =	sld [smem:$0x3FDB];
	s0 =	simm.s32 @p2 $0x1  }
0x17: {  	s4 =	simm.s32 $0x1BF5;
	[smem:$0x3FAE] =	sst s0  }
0x18: {  	s0 =	sld [smem:$0x3F91];
	_ =	swait.ge [sflag:s4], $0x0  }
0x19: {  	s7 =	sld [smem:$0x3F92]  }
0x1a: {  	s8 =	sadd.s32 $0xFFFFE003, lr  }
0x1b: {  	s9 =	sadd.s32 $0xFFFFFEF7, lr;
	s5 =	simm.s32 $0xFFFFFFFF;
	p2 =	slt.u32 s8, $0xFFFFF086  }
0x1c: {  	p1 =	slt.u32 s9, $0xF7A;
	s5 =	simm.s32 @!p2 $0x0  }
0x1d: {  	s5 =	simm.s32 @p1 $0x1;
	p0 =	seq.s32 s7, s2  }
0x1e: {  	s7 =	smul.u32 @!p0 $0xF7A, s2;
	p2 =	seq.s32 @!p0 s5, $0x0  }
0x1f: {  	s9 =	smul.u32 $0xF7A, s1;
	s8 =	simm.s32 @!p0 $0x1BF5;
	p2 =	por !p2, p0  }
0x20: {  	[sflag:s8] =	ssyncset.s32 @!p0 $0xFFFFF086;
	s6 =	sadd.s32 @!p0 s3, s7;
	s7 =	simm.s32 @!p0 $0x108  }
0x21: {  	s3 =	sadd.s32 s3, s9;
	s6 =	sadd.s32 @!p0 $0x88, s6;
	s7 =	simm.s32 @p2 $0x1082  }
0x22: {  	[simem:s7], [sflag:s8] =	dma.local @!p0 [hbm:s6], $0xF7A  }
0x23: {  	s9 =	sor.u32 $0xD0000000, s2;
	s6 =	simm.s32 $0x108;
	_ =	swait.ge @!p0 [sflag:s8], $0x0  }
0x24: {  	s3 =	sadd.s32 $0x88, s3;
	s6 =	simm.s32 @!p1 $0x1082;
	[sflag:s4] =	ssyncset.s32 $0xFFFFF086  }
0x25: {  	[simem:s6], [sflag:s4] =	dma.local [hbm:s3], $0xF7A  }
0x26: {  	[smem:$0x3F92] =	sst s1;
	(tag) =	ssettag s2;
	_ =	strace s9  }
0x27: {  	s1 =	sld [smem:$0x3FA2]  }
0x28: {  	s2 =	sld [smem:$0x3FA3]  }
0x29: {  	s4 =	sld [smem:$0x3FA5]  }
0x2a: {  	p0 =	seq.s32 s5, $0x0;
	s5 =	sld [smem:$0x3FA6]  }
0x2b: {  	s6 =	sld [smem:$0x3FA7]  }
0x2c: {  	s7 =	sld [smem:$0x3FA8]  }
0x2d: {  	s3 =	simm.s32 $0x108;
	s8 =	sld [smem:$0x3FA9]  }
0x2e: {  	s3 =	simm.s32 @!p0 $0x1082;
	s9 =	sld [smem:$0x3FAA]  }
0x2f: {  	lr =	sadd.s32 s0, s3;
	s0 =	sld [smem:$0x3FA1]  }
0x30: {  	s3 =	sld [smem:$0x3FA4]  }
0x31: {  	[smem:$0x3FAD] =	sst s10  }
0x32: {  	s10 =	sld [smem:$0x3FAB];
	_ =	sdelay $0x3  }
0x33: {  	p0 =	seq.s32 s10, $0x1;
	s10 =	sld [smem:$0x3FAD];
	_ =	sdelay $0x3  }
0x34: {  	[smem:$0x3FAD] =	sst s10  }
0x35: {  	s10 =	sld [smem:$0x3FAC];
	_ =	sdelay $0x3  }
0x36: {  	p1 =	seq.s32 s10, $0x1;
	s10 =	sld [smem:$0x3FAD];
	_ =	sdelay $0x3  }
0x37: {  	[smem:$0x3FAD] =	sst s10  }
0x38: {  	s10 =	sld [smem:$0x3FAE]  }
0x39: {  	_ = 	snop;
	(pc) =	sbr.ind lr, $3  }
0x3a: {  	_ = 	snop  }
0x3b: {  	_ = 	snop  }
0x3c: {  	p2 =	seq.s32 s10, $0x1;
	s10 =	sld [smem:$0x3FAD]  }
0x3d: {  	_ =	shalt  }
0x3e: {  	_ =	shalt  }
0x3f: {  	_ =	shalt  }
0x40: {  	_ =	shalt  }
0x41: {  	_ =	shalt  }
0x42: {  	_ =	shalt  }
0x43: {  	_ =	shalt  }
0x44: {  	_ =	shalt  }
0x45: {  	_ =	shalt  }
0x46: {  	_ =	shalt  }
0x47: {  	_ =	shalt  }
0x48: {  	_ =	shalt  }
0x49: {  	_ =	shalt  }
0x4a: {  	_ =	shalt  }
0x4b: {  	_ =	shalt  }
0x4c: {  	_ =	shalt  }
0x4d: {  	_ =	shalt  }
0x4e: {  	_ =	shalt  }
0x4f: {  	_ =	shalt  }
0x50: {  	_ =	shalt  }
0x51: {  	_ =	shalt  }
0x52: {  	_ =	shalt  }
0x53: {  	_ =	shalt  }
0x54: {  	_ =	shalt  }
0x55: {  	_ =	shalt  }
0x56: {  	_ =	shalt  }
0x57: {  	_ =	shalt  }
0x58: {  	_ =	shalt  }
0x59: {  	_ =	shalt  }
0x5a: {  	_ =	shalt  }
0x5b: {  	_ =	shalt  }
0x5c: {  	_ =	shalt  }
0x5d: {  	_ =	shalt  }
0x5e: {  	_ =	shalt  }
0x5f: {  	_ =	shalt  }
0x60: {  	_ =	shalt  }
0x61: {  	_ =	shalt  }
0x62: {  	_ =	shalt  }
0x63: {  	_ =	shalt  }
0x64: {  	_ =	shalt  }
0x65: {  	_ =	shalt  }
0x66: {  	_ =	shalt  }
0x67: {  	_ =	shalt  }
0x68: {  	_ =	shalt  }
0x69: {  	_ =	shalt  }
0x6a: {  	_ =	shalt  }
0x6b: {  	_ =	shalt  }
0x6c: {  	_ =	shalt  }
0x6d: {  	_ =	shalt  }
0x6e: {  	_ =	shalt  }
0x6f: {  	_ =	shalt  }
0x70: {  	_ =	shalt  }
0x71: {  	_ =	shalt  }
0x72: {  	_ =	shalt  }
0x73: {  	_ =	shalt  }
0x74: {  	_ =	shalt  }
0x75: {  	_ =	shalt  }
0x76: {  	_ =	shalt  }
0x77: {  	_ =	shalt  }
0x78: {  	_ =	shalt  }
0x79: {  	_ =	shalt  }
0x7a: {  	_ =	shalt  }
0x7b: {  	_ =	shalt  }
0x7c: {  	_ =	shalt  }
0x7d: {  	_ =	shalt  }
0x7e: {  	_ =	shalt  }
0x7f: {  	_ =	shalt  }
0x80: {  	_ =	shalt  }
0x81: {  	_ =	shalt  }
0x82: {  	_ =	shalt  }
0x83: {  	_ =	shalt  }
0x84: {  	_ =	shalt  }
0x85: {  	_ =	shalt  }
0x86: {  	_ =	shalt  }
0x87: {  	_ =	shalt  }
.Lfunc_end0:
.L_simem_size_0:
called_computation_lowered:
.L_overlay_start_0:
0x88: {  	s2 =	sld [smem:$0x3FD9]  }
0x89: {  	s3 =	sld [smem:$0x3FFE];
	_ =	sdelay $0x1  }
0x8a: {  	s1 =	srdreg.scid  }
0x8b: {  	s0 =	sand.u32 $0x1, s1  }
0x8c: {  	s17 =	sshll.u32 s0, $0xA;
	s2 =	sadd.s32 s3, s2  }
0x8d: {  	s2 =	sadd.s32 s2, s17  }
0x8e: {  	[smem:$0x3FB9] =	sst s2  }
0x8f: {  	_ = 	snop  }
0x90: {  	s2 =	sld [smem:$0x3FC9]  }
0x91: {  	s18 =	sld [smem:$0x3FD0];
	(tm) =	ssettm $0x1  }
0x92: {  	s4 =	sld [smem:$0x3FFB];
	_ =	sdelay $0x3  }
0x93: {  	_ =	strace s4  }
0x94: {  	s4 =	sld [smem:$0x3FFC];
	_ =	sdelay $0x3  }
0x95: {  	_ =	strace s4  }
0x96: {  	s4 =	sld [smem:$0x3FFD];
	_ =	sdelay $0x3  }
0x97: {  	_ =	strace s4  }
0x98: {  	_ =	strace $0x8FFFFFFF  }
0x99: {  	s19 =	sld [smem:$0x3FDB];
	_ =	sdelay $0x1  }
0x9a: {  	s5 =	simm.s32 $_scs_section_size  }
0x9b: {  	s6 =	simm.s32 $_size__tile_overlayer_lowered;
	s7 =	simm.s32 $_tile_overlayer_lowered  }
0x9c: {  	s22 =	simm.s32 $0x1BFF;
	s21 =	sshll.u32 s7, $0x1;
	s4 =	sadd.s32 s5, s19  }
0x9d: {  	s8 =	simm.s32 $0x0;
	s20 =	sshll.u32 s6, $0x1;
	s6 =	sadd.s32 s21, s4  }
0x9e: {  	[timem:s8], [sflag:s22] =	dma.local [hbm:s6], s20  }
0x9f: {  	_ =	swait.ge [sflag:s22], s20  }
0xa0: {  	s5 =	ssub.s32 $0x0, s20;
	[sflag:s22] =	ssyncset.done $0x0  }
0xa1: {  	[sflag:s22] =	ssyncadd.s32 s5;
	_ =	sdelay $0x1  }
0xa2: {  	s23 =	simm.s32 $0x1B8B  }
0xa3: {  	_ =	swait.ge [sflag:s23], $0x1  }
0xa4: {  	[sflag:s23] =	ssyncset.done $0x0  }
0xa5: {  	s25 =	simm.s32 $0x1B8E;
	s24 =	sld [smem:$0x3FFE];
	[sflag:s23] =	ssyncadd.s32 $0xFFFFFFFF  }
0xa6: {  	s26 =	simm.s32 $execute0_lowered;
	[smem:$0x3FD2] =	sst s25  }
0xa7: {  	s6 =	sshll.u32 s26, $0x1;
	_ =	strace $0x80000046;
	[dreg:$0x1] =	wrdreg $0xFFFFFFFF  }
0xa8: {  	s28 =	simm.s32 $_size_execute0_lowered;
	s4 =	sadd.s32 s4, s6;
	[dreg:$0x0] =	wrdreg $0x0  }
0xa9: {  	s6 =	sshll.u32 s28, $0x1;
	[dreg:$0x2] =	wrdreg s4  }
0xaa: {  	[dreg:$0x3] =	wrdreg s6  }
0xab: {  	[dreg:$0x4] =	wrdreg $0xC0  }
0xac: {  	_ =	task [dreg:s8], $0x5FFFF  }
0xad: {  	[dreg:$0x1] =	wrdreg $0xFFFFFFFF  }
0xae: {  	[dreg:$0x0] =	wrdreg $0x60  }
0xaf: {  	[dreg:$0x2] =	wrdreg s18  }
0xb0: {  	[dreg:$0x3] =	wrdreg s2  }
0xb1: {  	[dreg:$0x4] =	wrdreg s24  }
0xb2: {  	[dreg:$0x5] =	wrdreg $0x9  }
0xb3: {  	_ =	task.clear_ibuf [dreg:s8], $0x6FFFF;
	_ =	strace $0x90000046  }
0xb4: {  	s29 =	simm.s32 $0x9;
	_ =	strace $0x80000048  }
0xb5: {  	_ =	swait.ge [sflag:s29], $0x1  }
0xb6: {  	[sflag:s29] =	ssyncadd.s32 $0xFFFFFFFF  }
0xb7: {  	_ =	strace $0x90000048  }
0xb8: {  	_ =	sfence  }
0xb9: {  	s30 =	sld [smem:$0x0];
	_ =	sdelay $0x2  }
0xba: {  	s31 =	sshll.u32 s1, $0xD;
	s1 =	sshrl.u32 s1, $0x2  }
0xbb: {  	s3 =	sand.u32 $0x4000, s31;
	s1 =	sadd.s32 s1, s30  }
0xbc: {  	s0 =	sor.u32 s3, s0;
	s1 =	sshll.u32 s1, $0x11  }
0xbd: {  	s0 =	sor.u32 s1, s0  }
0xbe: {  	s0 =	sadd.s32 $0x8F2B, s0  }
0xbf: {  	[sflag:s0] =	ssyncadd.remote.s32 $0x1  }
0xc0: {  	_ =	sfence.sel $0xFFFF  }
0xc1: {  	[dreg:$0x0] =	wrdreg $0xFFFFFFFF;
	(pc) =	sbr.abs _section_cstart, $3  }
0xc2: {  	[dreg:$0x1] =	wrdreg $0xFFFFFFFF  }
0xc3: {  	_ =	task.clear_ibuf [dreg:s8], $0x2FFFF;
	_ =	strace $0x9FFFFFFF  }
0xc4: {  	(tm) =	ssettm $0x7FFFFFFF  }
0xc5: {  	_ =	shalt  }
tec
execute0_lowered:
.L_overlay_start_1:
0x0: {  	(tag) =	ssettag $0x1  }
0x1: {  	s0 =	rddreg [dreg:$0x0]  }
0x2: {  	s1 =	rddreg [dreg:$0x1]  }
0x3: {  	s4 =	rddreg [dreg:$0x2]  }
0x4: {  	s2 =	srdreg.scid;
	s3 =	stileid.u32;
	s26 =	simm.s32 $0x80  }
0x5: {  	s10 =	simm.s32 $0x2;
	s20 =	simm.s32 $0x1;
	s23 =	simm.s32 $0x1100  }
0x6: {  	s28 =	simm.s32 $0x3100;
	s29 =	simm.s32 $0x3900;
	s30 =	simm.s32 $0x4100  }
0x7: {  	s31 =	simm.s32 $0x4900;
	s12 =	simm.s32 $0x7100;
	s13 =	simm.s32 $0x7900  }
0x8: {  	s14 =	simm.s32 $0x8100;
	s15 =	simm.s32 $0x8900;
	s16 =	simm.s32 $0x9100  }
0x9: {  	s17 =	simm.s32 $0x9900;
	s18 =	simm.s32 $0xA100;
	s19 =	simm.s32 $0xA900  }
0xa: {  	s11 =	simm.s32 $0xB100;
	s5 =	sand.u32 $0x1, s2;
	s2 =	simm.s32 $0x0  }
0xb: {  	s3 =	sshll.u32 s3, $0x8;
	s8 =	sadd.s32 $0x1700, s4;
	s6 =	sshll.u32 s5, $0x7  }
0xc: {  	[smem:$0x7FF] =	sst s2;
	s5 =	ssub.s32 $0x2, s5;
	s6 =	sor.u32 s6, s3  }
0xd: {  	_ =	strace $0x80000047;
	s3 =	sadd.s32 $0x1400, s4;
	s25 =	sshrl.u32 s5, $0x1  }
0xe: {  	[dreg:$0x6] =	wrdreg s26;
	s26 =	simm.s32 $0x2900;
	s7 =	sshrl.u32 s6, $0x3  }
0xf: {  	s24 =	sshll.u32 s6, $0x7;
	s5 =	ssub.s32 s5, s25;
	s6 =	sadd.s32 $0x1500, s4  }
0x10: {  	s25 =	simm.s32 $0x2100;
	s7 =	sadd.s32 s0, s7;
	s0 =	sand.u32 $0x3C000, s24  }
0x11: {  	s9 =	smax.u32 s5, $0x1;
	[dreg:$0x7] =	wrdreg s7;
	s7 =	sadd.s32 $0x8, s7  }
0x12: {  	v2 =	vlaneseq.u32;
	s24 =	simm.s32 $0x1900;
	s0 =	sadd.s32 s1, s0;
	[dreg:$0x4] =	wrdreg s7  }
0x13: {  	vm0 =	vmmov $0xffff;
	v1 =	vshrl.u32 v2, $0x3;
	s5 =	simm.s32 $0x6900;
	[dreg:$0x8] =	wrdreg s0;
	s0 =	sadd.s32 $0x2000, s0  }
0x14: {  	v0 =	vand.u32 $0x7, v2;
	v2 =	vor.u32 $0x8, v2;
	v1 =	vmul.u32 $0x8, v1;
	s7 =	sadd.s32 $0x1600, s4;
	s4 =	simm.s32 $0x6100;
	[dreg:$0x5] =	wrdreg s0  }
.LBB2_1:
0x15: {  	s21 =	rddreg [dreg:$0x7]  }
0x16: {  	[tilespmem:s2], [sflag:$0x2] =	stream.linear.gather [hbm4b:s21+s2], $0x40, $0x38;
	[tilespmem:$0x10100] =	vst v63  }
0x17: {  	_ =	swait.ge [sflag:s10], $0x40  }
0x18: {  	s0 =	rddreg [dreg:$0x4];
	[sflag:s10] =	ssyncset.done $0x0  }
0x19: {  	s22 =	rddreg [dreg:$0x6];
	[sflag:s10] =	ssyncadd.s32 $0xFFFFFFC0  }
0x1a: {  	[tilespmem:s22], [sflag:$0x2] =	stream.linear.gather [hbm4b:s0+s2], $0x40, $0x38;
	[tilespmem:$0x10100] =	vst v63  }
0x1b: {  	_ =	swait.ge [sflag:s10], $0x40  }
0x1c: {  	[sflag:s10] =	ssyncset.done $0x0  }
0x1d: {  	s0 =	simm.s32 $0x100;
	s1 =	rddreg [dreg:$0x8];
	[sflag:s10] =	ssyncadd.s32 $0xFFFFFFC0  }
0x1e: {  	[tilespmem:s0], [sflag:$0x2] =	stream.linear.gather [hbm4b:s1+s2], $0x10000, $0x38;
	[tilespmem:$0x10100] =	vst v63  }
0x1f: {  	_ =	swait.ge [sflag:s10], $0x10000  }
0x20: {  	[sflag:s10] =	ssyncset.done $0x0  }
0x21: {  	[sflag:s10] =	ssyncadd.s32 $0xFFFF0000  }
0x22: {  	v3 =	vld [tilespmem:$0x0];
	_ =	sdelay $0x4  }
0x23: {  	v4 =	vshll.u32 v3, $0x3  }
0x24: {  	v3 =	vand.u32 $0x7, v3;
	v4 =	vand.u32 $0xFFFFFFC0, v4  }
0x25: {  	v3 =	vor.u32 v3, v4  }
0x26: {  	v4 =	vperm.xlane v3, v0;
	_ =	sdelay $0x1  }
0x27: {  	v4 =	vadd.s32 v1, v4;
	_ =	sdelay $0x4  }
0x28: {  	[hbm4b:s3+s2] =	stream.indirect_vreg.scatter [tilespmem:s0], [sflag:$0x1], $0x80, v4, vm0, $0xb8;
	[tilespmem:$0x10100] =	vst v63  }
0x29: {  	s22 =	simm.s32 $0x900;
	v3 =	vperm.xlane v3, v2  }
0x2a: {  	[hbm4b:s6+s2] =	stream.indirect_vreg.scatter [tilespmem:s22], [sflag:$0x1], $0x80, v4, vm0, $0xb8;
	[tilespmem:$0x10100] =	vst v63  }
0x2b: {  	v3 =	vadd.s32 v1, v3  }
0x2c: {  	[hbm4b:s7+s2] =	stream.indirect_vreg.scatter [tilespmem:s23], [sflag:$0x1], $0x80, v4, vm0, $0xb8;
	[tilespmem:$0x10100] =	vst v63  }
0x2d: {  	_ = 	snop  }
0x2e: {  	[hbm4b:s8+s2] =	stream.indirect_vreg.scatter [tilespmem:s24], [sflag:$0x1], $0x80, v4, vm0, $0xb8;
	[tilespmem:$0x10100] =	vst v63  }
0x2f: {  	_ = 	snop  }
0x30: {  	[hbm4b:s3+s2] =	stream.indirect_vreg.scatter [tilespmem:s25], [sflag:$0x1], $0x80, v3, vm0, $0xb8;
	[tilespmem:$0x10100] =	vst v63  }
0x31: {  	_ = 	snop  }
0x32: {  	[hbm4b:s6+s2] =	stream.indirect_vreg.scatter [tilespmem:s26], [sflag:$0x1], $0x80, v3, vm0, $0xb8;
	[tilespmem:$0x10100] =	vst v63  }
0x33: {  	_ = 	snop  }
0x34: {  	[hbm4b:s7+s2] =	stream.indirect_vreg.scatter [tilespmem:s28], [sflag:$0x1], $0x80, v3, vm0, $0xb8;
	[tilespmem:$0x10100] =	vst v63  }
0x35: {  	_ = 	snop  }
0x36: {  	[hbm4b:s8+s2] =	stream.indirect_vreg.scatter [tilespmem:s29], [sflag:$0x1], $0x80, v3, vm0, $0xb8;
	[tilespmem:$0x10100] =	vst v63  }
0x37: {  	v3 =	vld [tilespmem:$0x10];
	_ =	sdelay $0x4  }
0x38: {  	v57 =	vshll.u32 v3, $0x3  }
0x39: {  	v3 =	vand.u32 $0x7, v3;
	v4 =	vand.u32 $0xFFFFFFC0, v57  }
0x3a: {  	v3 =	vor.u32 v3, v4  }
0x3b: {  	v4 =	vperm.xlane v3, v0;
	_ =	sdelay $0x1  }
0x3c: {  	v4 =	vadd.s32 v1, v4;
	_ =	sdelay $0x4  }
0x3d: {  	[hbm4b:s3+s2] =	stream.indirect_vreg.scatter [tilespmem:s30], [sflag:$0x1], $0x80, v4, vm0, $0xb8;
	[tilespmem:$0x10100] =	vst v63  }
0x3e: {  	v3 =	vperm.xlane v3, v2  }
0x3f: {  	[hbm4b:s6+s2] =	stream.indirect_vreg.scatter [tilespmem:s31], [sflag:$0x1], $0x80, v4, vm0, $0xb8;
	[tilespmem:$0x10100] =	vst v63  }
0x40: {  	s1 =	simm.s32 $0x5100;
	v3 =	vadd.s32 v1, v3  }
0x41: {  	[hbm4b:s7+s2] =	stream.indirect_vreg.scatter [tilespmem:s1], [sflag:$0x1], $0x80, v4, vm0, $0xb8;
	[tilespmem:$0x10100] =	vst v63  }
0x42: {  	s1 =	simm.s32 $0x5900  }
0x43: {  	[hbm4b:s8+s2] =	stream.indirect_vreg.scatter [tilespmem:s1], [sflag:$0x1], $0x80, v4, vm0, $0xb8;
	[tilespmem:$0x10100] =	vst v63  }
0x44: {  	_ = 	snop  }
0x45: {  	[hbm4b:s3+s2] =	stream.indirect_vreg.scatter [tilespmem:s4], [sflag:$0x1], $0x80, v3, vm0, $0xb8;
	[tilespmem:$0x10100] =	vst v63  }
0x46: {  	_ = 	snop  }
0x47: {  	[hbm4b:s6+s2] =	stream.indirect_vreg.scatter [tilespmem:s5], [sflag:$0x1], $0x80, v3, vm0, $0xb8;
	[tilespmem:$0x10100] =	vst v63  }
0x48: {  	_ = 	snop  }
0x49: {  	[hbm4b:s7+s2] =	stream.indirect_vreg.scatter [tilespmem:s12], [sflag:$0x1], $0x80, v3, vm0, $0xb8;
	[tilespmem:$0x10100] =	vst v63  }
0x4a: {  	_ = 	snop  }
0x4b: {  	[hbm4b:s8+s2] =	stream.indirect_vreg.scatter [tilespmem:s13], [sflag:$0x1], $0x80, v3, vm0, $0xb8;
	[tilespmem:$0x10100] =	vst v63  }
0x4c: {  	v3 =	vld [tilespmem:$0x20];
	_ =	sdelay $0x4  }
0x4d: {  	v58 =	vshll.u32 v3, $0x3  }
0x4e: {  	v3 =	vand.u32 $0x7, v3;
	v4 =	vand.u32 $0xFFFFFFC0, v58  }
0x4f: {  	v3 =	vor.u32 v3, v4  }
0x50: {  	v4 =	vperm.xlane v3, v0;
	_ =	sdelay $0x1  }
0x51: {  	v4 =	vadd.s32 v1, v4;
	_ =	sdelay $0x4  }
0x52: {  	[hbm4b:s3+s2] =	stream.indirect_vreg.scatter [tilespmem:s14], [sflag:$0x1], $0x80, v4, vm0, $0xb8;
	[tilespmem:$0x10100] =	vst v63  }
0x53: {  	v3 =	vperm.xlane v3, v2  }
0x54: {  	[hbm4b:s6+s2] =	stream.indirect_vreg.scatter [tilespmem:s15], [sflag:$0x1], $0x80, v4, vm0, $0xb8;
	[tilespmem:$0x10100] =	vst v63  }
0x55: {  	v3 =	vadd.s32 v1, v3  }
0x56: {  	[hbm4b:s7+s2] =	stream.indirect_vreg.scatter [tilespmem:s16], [sflag:$0x1], $0x80, v4, vm0, $0xb8;
	[tilespmem:$0x10100] =	vst v63  }
0x57: {  	_ = 	snop  }
0x58: {  	[hbm4b:s8+s2] =	stream.indirect_vreg.scatter [tilespmem:s17], [sflag:$0x1], $0x80, v4, vm0, $0xb8;
	[tilespmem:$0x10100] =	vst v63  }
0x59: {  	_ = 	snop  }
0x5a: {  	[hbm4b:s3+s2] =	stream.indirect_vreg.scatter [tilespmem:s18], [sflag:$0x1], $0x80, v3, vm0, $0xb8;
	[tilespmem:$0x10100] =	vst v63  }
0x5b: {  	_ = 	snop  }
0x5c: {  	[hbm4b:s6+s2] =	stream.indirect_vreg.scatter [tilespmem:s19], [sflag:$0x1], $0x80, v3, vm0, $0xb8;
	[tilespmem:$0x10100] =	vst v63  }
0x5d: {  	_ = 	snop  }
0x5e: {  	[hbm4b:s7+s2] =	stream.indirect_vreg.scatter [tilespmem:s11], [sflag:$0x1], $0x80, v3, vm0, $0xb8;
	[tilespmem:$0x10100] =	vst v63  }
0x5f: {  	s21 =	simm.s32 $0xB900  }
0x60: {  	[hbm4b:s8+s2] =	stream.indirect_vreg.scatter [tilespmem:s21], [sflag:$0x1], $0x80, v3, vm0, $0xb8;
	[tilespmem:$0x10100] =	vst v63  }
0x61: {  	v3 =	vld [tilespmem:$0x30];
	_ =	sdelay $0x4  }
0x62: {  	v59 =	vshll.u32 v3, $0x3  }
0x63: {  	v3 =	vand.u32 $0x7, v3;
	v4 =	vand.u32 $0xFFFFFFC0, v59  }
0x64: {  	v3 =	vor.u32 v3, v4  }
0x65: {  	v4 =	vperm.xlane v3, v0;
	_ =	sdelay $0x1  }
0x66: {  	v4 =	vadd.s32 v1, v4;
	_ =	sdelay $0x3  }
0x67: {  	s21 =	simm.s32 $0xC100  }
0x68: {  	[hbm4b:s3+s2] =	stream.indirect_vreg.scatter [tilespmem:s21], [sflag:$0x1], $0x80, v4, vm0, $0xb8;
	[tilespmem:$0x10100] =	vst v63  }
0x69: {  	v3 =	vperm.xlane v3, v2;
	s21 =	simm.s32 $0xC900  }
0x6a: {  	[hbm4b:s6+s2] =	stream.indirect_vreg.scatter [tilespmem:s21], [sflag:$0x1], $0x80, v4, vm0, $0xb8;
	[tilespmem:$0x10100] =	vst v63  }
0x6b: {  	v3 =	vadd.s32 v1, v3;
	s21 =	simm.s32 $0xD100  }
0x6c: {  	[hbm4b:s7+s2] =	stream.indirect_vreg.scatter [tilespmem:s21], [sflag:$0x1], $0x80, v4, vm0, $0xb8;
	[tilespmem:$0x10100] =	vst v63  }
0x6d: {  	s21 =	simm.s32 $0xD900  }
0x6e: {  	[hbm4b:s8+s2] =	stream.indirect_vreg.scatter [tilespmem:s21], [sflag:$0x1], $0x80, v4, vm0, $0xb8;
	[tilespmem:$0x10100] =	vst v63  }
0x6f: {  	s21 =	simm.s32 $0xE100  }
0x70: {  	[hbm4b:s3+s2] =	stream.indirect_vreg.scatter [tilespmem:s21], [sflag:$0x1], $0x80, v3, vm0, $0xb8;
	[tilespmem:$0x10100] =	vst v63  }
0x71: {  	s21 =	simm.s32 $0xE900  }
0x72: {  	[hbm4b:s6+s2] =	stream.indirect_vreg.scatter [tilespmem:s21], [sflag:$0x1], $0x80, v3, vm0, $0xb8;
	[tilespmem:$0x10100] =	vst v63  }
0x73: {  	s21 =	simm.s32 $0xF100  }
0x74: {  	[hbm4b:s7+s2] =	stream.indirect_vreg.scatter [tilespmem:s21], [sflag:$0x1], $0x80, v3, vm0, $0xb8;
	[tilespmem:$0x10100] =	vst v63  }
0x75: {  	s21 =	simm.s32 $0xF900  }
0x76: {  	[hbm4b:s8+s2] =	stream.indirect_vreg.scatter [tilespmem:s21], [sflag:$0x1], $0x80, v3, vm0, $0xb8;
	[tilespmem:$0x10100] =	vst v63  }
0x77: {  	_ =	swait.ge [sflag:s20], $0x10000  }
0x78: {  	[sflag:s20] =	ssyncset.done $0x0  }
0x79: {  	s21 =	rddreg [dreg:$0x5];
	[sflag:s20] =	ssyncadd.s32 $0xFFFF0000  }
0x7a: {  	[tilespmem:s0], [sflag:$0x2] =	stream.linear.gather [hbm4b:s21+s2], $0x10000, $0x38;
	[tilespmem:$0x10100] =	vst v63  }
0x7b: {  	_ =	swait.ge [sflag:s10], $0x10000  }
0x7c: {  	[sflag:s10] =	ssyncset.done $0x0  }
0x7d: {  	[sflag:s10] =	ssyncadd.s32 $0xFFFF0000  }
0x7e: {  	v3 =	vld [tilespmem:$0x80];
	_ =	sdelay $0x4  }
0x7f: {  	v60 =	vshll.u32 v3, $0x3  }
0x80: {  	v3 =	vand.u32 $0x7, v3;
	v4 =	vand.u32 $0xFFFFFFC0, v60  }
0x81: {  	v3 =	vor.u32 v3, v4  }
0x82: {  	v4 =	vperm.xlane v3, v0;
	_ =	sdelay $0x1  }
0x83: {  	v4 =	vadd.s32 v1, v4;
	_ =	sdelay $0x4  }
0x84: {  	[hbm4b:s3+s2] =	stream.indirect_vreg.scatter [tilespmem:s0], [sflag:$0x1], $0x80, v4, vm0, $0xb8;
	[tilespmem:$0x10100] =	vst v63  }
0x85: {  	v3 =	vperm.xlane v3, v2  }
0x86: {  	[hbm4b:s6+s2] =	stream.indirect_vreg.scatter [tilespmem:s22], [sflag:$0x1], $0x80, v4, vm0, $0xb8;
	[tilespmem:$0x10100] =	vst v63  }
0x87: {  	v3 =	vadd.s32 v1, v3  }
0x88: {  	[hbm4b:s7+s2] =	stream.indirect_vreg.scatter [tilespmem:s23], [sflag:$0x1], $0x80, v4, vm0, $0xb8;
	[tilespmem:$0x10100] =	vst v63  }
0x89: {  	_ = 	snop  }
0x8a: {  	[hbm4b:s8+s2] =	stream.indirect_vreg.scatter [tilespmem:s24], [sflag:$0x1], $0x80, v4, vm0, $0xb8;
	[tilespmem:$0x10100] =	vst v63  }
0x8b: {  	_ = 	snop  }
0x8c: {  	[hbm4b:s3+s2] =	stream.indirect_vreg.scatter [tilespmem:s25], [sflag:$0x1], $0x80, v3, vm0, $0xb8;
	[tilespmem:$0x10100] =	vst v63  }
0x8d: {  	_ = 	snop  }
0x8e: {  	[hbm4b:s6+s2] =	stream.indirect_vreg.scatter [tilespmem:s26], [sflag:$0x1], $0x80, v3, vm0, $0xb8;
	[tilespmem:$0x10100] =	vst v63  }
0x8f: {  	_ = 	snop  }
0x90: {  	[hbm4b:s7+s2] =	stream.indirect_vreg.scatter [tilespmem:s28], [sflag:$0x1], $0x80, v3, vm0, $0xb8;
	[tilespmem:$0x10100] =	vst v63  }
0x91: {  	_ = 	snop  }
0x92: {  	[hbm4b:s8+s2] =	stream.indirect_vreg.scatter [tilespmem:s29], [sflag:$0x1], $0x80, v3, vm0, $0xb8;
	[tilespmem:$0x10100] =	vst v63  }
0x93: {  	v3 =	vld [tilespmem:$0x90];
	_ =	sdelay $0x4  }
0x94: {  	v61 =	vshll.u32 v3, $0x3  }
0x95: {  	v3 =	vand.u32 $0x7, v3;
	v4 =	vand.u32 $0xFFFFFFC0, v61  }
0x96: {  	v3 =	vor.u32 v3, v4  }
0x97: {  	v4 =	vperm.xlane v3, v0;
	_ =	sdelay $0x1  }
0x98: {  	v4 =	vadd.s32 v1, v4;
	_ =	sdelay $0x4  }
0x99: {  	[hbm4b:s3+s2] =	stream.indirect_vreg.scatter [tilespmem:s30], [sflag:$0x1], $0x80, v4, vm0, $0xb8;
	[tilespmem:$0x10100] =	vst v63  }
0x9a: {  	v3 =	vperm.xlane v3, v2  }
0x9b: {  	[hbm4b:s6+s2] =	stream.indirect_vreg.scatter [tilespmem:s31], [sflag:$0x1], $0x80, v4, vm0, $0xb8;
	[tilespmem:$0x10100] =	vst v63  }
0x9c: {  	s22 =	simm.s32 $0x5100;
	v3 =	vadd.s32 v1, v3  }
0x9d: {  	[hbm4b:s7+s2] =	stream.indirect_vreg.scatter [tilespmem:s22], [sflag:$0x1], $0x80, v4, vm0, $0xb8;
	[tilespmem:$0x10100] =	vst v63  }
0x9e: {  	_ = 	snop  }
0x9f: {  	[hbm4b:s8+s2] =	stream.indirect_vreg.scatter [tilespmem:s1], [sflag:$0x1], $0x80, v4, vm0, $0xb8;
	[tilespmem:$0x10100] =	vst v63  }
0xa0: {  	_ = 	snop  }
0xa1: {  	[hbm4b:s3+s2] =	stream.indirect_vreg.scatter [tilespmem:s4], [sflag:$0x1], $0x80, v3, vm0, $0xb8;
	[tilespmem:$0x10100] =	vst v63  }
0xa2: {  	_ = 	snop  }
0xa3: {  	[hbm4b:s6+s2] =	stream.indirect_vreg.scatter [tilespmem:s5], [sflag:$0x1], $0x80, v3, vm0, $0xb8;
	[tilespmem:$0x10100] =	vst v63  }
0xa4: {  	_ = 	snop  }
0xa5: {  	[hbm4b:s7+s2] =	stream.indirect_vreg.scatter [tilespmem:s12], [sflag:$0x1], $0x80, v3, vm0, $0xb8;
	[tilespmem:$0x10100] =	vst v63  }
0xa6: {  	_ = 	snop  }
0xa7: {  	[hbm4b:s8+s2] =	stream.indirect_vreg.scatter [tilespmem:s13], [sflag:$0x1], $0x80, v3, vm0, $0xb8;
	[tilespmem:$0x10100] =	vst v63  }
0xa8: {  	v3 =	vld [tilespmem:$0xA0];
	_ =	sdelay $0x4  }
0xa9: {  	v62 =	vshll.u32 v3, $0x3  }
0xaa: {  	v3 =	vand.u32 $0x7, v3;
	v4 =	vand.u32 $0xFFFFFFC0, v62  }
0xab: {  	v3 =	vor.u32 v3, v4  }
0xac: {  	v4 =	vperm.xlane v3, v0;
	_ =	sdelay $0x1  }
0xad: {  	v4 =	vadd.s32 v1, v4;
	_ =	sdelay $0x4  }
0xae: {  	[hbm4b:s3+s2] =	stream.indirect_vreg.scatter [tilespmem:s14], [sflag:$0x1], $0x80, v4, vm0, $0xb8;
	[tilespmem:$0x10100] =	vst v63  }
0xaf: {  	v3 =	vperm.xlane v3, v2  }
0xb0: {  	[hbm4b:s6+s2] =	stream.indirect_vreg.scatter [tilespmem:s15], [sflag:$0x1], $0x80, v4, vm0, $0xb8;
	[tilespmem:$0x10100] =	vst v63  }
0xb1: {  	v3 =	vadd.s32 v1, v3  }
0xb2: {  	[hbm4b:s7+s2] =	stream.indirect_vreg.scatter [tilespmem:s16], [sflag:$0x1], $0x80, v4, vm0, $0xb8;
	[tilespmem:$0x10100] =	vst v63  }
0xb3: {  	_ = 	snop  }
0xb4: {  	[hbm4b:s8+s2] =	stream.indirect_vreg.scatter [tilespmem:s17], [sflag:$0x1], $0x80, v4, vm0, $0xb8;
	[tilespmem:$0x10100] =	vst v63  }
0xb5: {  	_ = 	snop  }
0xb6: {  	[hbm4b:s3+s2] =	stream.indirect_vreg.scatter [tilespmem:s18], [sflag:$0x1], $0x80, v3, vm0, $0xb8;
	[tilespmem:$0x10100] =	vst v63  }
0xb7: {  	_ = 	snop  }
0xb8: {  	[hbm4b:s6+s2] =	stream.indirect_vreg.scatter [tilespmem:s19], [sflag:$0x1], $0x80, v3, vm0, $0xb8;
	[tilespmem:$0x10100] =	vst v63  }
0xb9: {  	_ = 	snop  }
0xba: {  	[hbm4b:s7+s2] =	stream.indirect_vreg.scatter [tilespmem:s11], [sflag:$0x1], $0x80, v3, vm0, $0xb8;
	[tilespmem:$0x10100] =	vst v63  }
0xbb: {  	s1 =	simm.s32 $0xB900  }
0xbc: {  	[hbm4b:s8+s2] =	stream.indirect_vreg.scatter [tilespmem:s1], [sflag:$0x1], $0x80, v3, vm0, $0xb8;
	[tilespmem:$0x10100] =	vst v63  }
0xbd: {  	v3 =	vld [tilespmem:$0xB0];
	_ =	sdelay $0x4  }
0xbe: {  	v63 =	vshll.u32 v3, $0x3  }
0xbf: {  	v3 =	vand.u32 $0x7, v3;
	v4 =	vand.u32 $0xFFFFFFC0, v63  }
0xc0: {  	v3 =	vor.u32 v3, v4  }
0xc1: {  	v4 =	vperm.xlane v3, v0;
	_ =	sdelay $0x1  }
0xc2: {  	v4 =	vadd.s32 v1, v4;
	_ =	sdelay $0x3  }
0xc3: {  	s21 =	simm.s32 $0xC100  }
0xc4: {  	[hbm4b:s3+s2] =	stream.indirect_vreg.scatter [tilespmem:s21], [sflag:$0x1], $0x80, v4, vm0, $0xb8;
	[tilespmem:$0x10100] =	vst v63  }
0xc5: {  	s22 =	simm.s32 $0xC900;
	v3 =	vperm.xlane v3, v2  }
0xc6: {  	[hbm4b:s6+s2] =	stream.indirect_vreg.scatter [tilespmem:s22], [sflag:$0x1], $0x80, v4, vm0, $0xb8;
	[tilespmem:$0x10100] =	vst v63  }
0xc7: {  	s1 =	simm.s32 $0xD100;
	v3 =	vadd.s32 v1, v3  }
0xc8: {  	[hbm4b:s7+s2] =	stream.indirect_vreg.scatter [tilespmem:s1], [sflag:$0x1], $0x80, v4, vm0, $0xb8;
	[tilespmem:$0x10100] =	vst v63  }
0xc9: {  	s21 =	simm.s32 $0xD900  }
0xca: {  	[hbm4b:s8+s2] =	stream.indirect_vreg.scatter [tilespmem:s21], [sflag:$0x1], $0x80, v4, vm0, $0xb8;
	[tilespmem:$0x10100] =	vst v63  }
0xcb: {  	s22 =	simm.s32 $0xE100  }
0xcc: {  	[hbm4b:s3+s2] =	stream.indirect_vreg.scatter [tilespmem:s22], [sflag:$0x1], $0x80, v3, vm0, $0xb8;
	[tilespmem:$0x10100] =	vst v63  }
0xcd: {  	s1 =	simm.s32 $0xE900  }
0xce: {  	[hbm4b:s6+s2] =	stream.indirect_vreg.scatter [tilespmem:s1], [sflag:$0x1], $0x80, v3, vm0, $0xb8;
	[tilespmem:$0x10100] =	vst v63  }
0xcf: {  	p0 =	sne.s32 s9, $0x1;
	s21 =	simm.s32 $0xF100  }
0xd0: {  	[hbm4b:s7+s2] =	stream.indirect_vreg.scatter [tilespmem:s21], [sflag:$0x1], $0x80, v3, vm0, $0xb8;
	[tilespmem:$0x10100] =	vst v63  }
.Ltmp0:
0xd1: {  	s22 =	simm.s32 $0xF900;
	(pc) =	sbr.rel @p0 .LBB2_1-.Ltmp0, $4  }
0xd2: {  	[hbm4b:s8+s2] =	stream.indirect_vreg.scatter [tilespmem:s22], [sflag:$0x1], $0x80, v3, vm0, $0xb8;
	[tilespmem:$0x10100] =	vst v63  }
0xd3: {  	_ =	swait.ge [sflag:s20], $0x10000  }
0xd4: {  	[sflag:s20] =	ssyncset.done $0x0  }
0xd5: {  	s9 =	sadd.s32 $0xFFFFFFFF, s9;
	[sflag:s20] =	ssyncadd.s32 $0xFFFF0000  }
0xd6: {  	_ =	sfence.sel $0x180000  }
0xd7: {  	[bflag:$0x0] =	sbarrier.arrive $0xFFFF  }
0xd8: {  	_ =	strace $0x90000047  }
0xd9: {  	s0 =	stileid.u32;
	[bflag:$0x2] =	sbarrier.arrive $0xFFFF  }
0xda: {  	p0 =	sne.s32 s0, $0x0;
	s0 =	rddreg [dreg:$0x3]  }
0xdb: {  	s0 =	sadd.s32 @!p0 $0x100000, s0  }
0xdc: {  	[sflag:s0] =	ssyncadd.tile.s32 @!p0 $0x1;
	_ =	shalt  }
.Lfunc_end2:
_tile_overlayer_lowered:
.L_overlay_start_2:
0xdd: {  	(tag) =	ssettag $0x2  }
0xde: {  	s0 =	rddreg [dreg:$0x0];
	s2 =	stileid.u32  }
0xdf: {  	s1 =	rddreg [dreg:$0x1];
	p0 =	sne.s32 s2, $0x0  }
0xe0: {  	s3 =	rddreg [dreg:$0x2];
	[bflag:$0x3] =	sbarrier.arrive $0xFFFF;
	s2 =	simm.s32 @!p0 $0x1C02  }
0xe1: {  	[timem:s3], [sflag:s2] =	dma.local @!p0 [hbm:s0], s1  }
0xe2: {  	s0 =	simm.s32 @!p0 $0x2  }
0xe3: {  	_ =	swait.ge @!p0 [sflag:s0], s1  }
0xe4: {  	s1 =	ssub.s32 @!p0 $0x0, s1;
	[sflag:s0] =	ssyncset.done @!p0 $0x0  }
0xe5: {  	[sflag:s0] =	ssyncadd.s32 @!p0 s1  }
0xe6: {  	[bflag:$0x3] =	sbarrier.arrive $0xFFFF  }
0xe7: {  	_ =	shalt  }

</sc_bundles>
